<compile_context>
chip_gen: v7x
topology: tpu7x:2x2x1
jax: 0.10.2.dev20260603
libtpu: 0.0.44.dev20260713+nightly
codegen_flags: <defaults>
</compile_context>

<pallas_src>
import functools

import jax
import jax.numpy as jnp
from jax import lax
from jax.experimental import pallas as pl
from jax.experimental.pallas import tpu as pltpu
from jax.experimental.pallas import tpu_sc as plsc

_B = 16
_L = 2048
_T = 32
_D = 32
_G = _L // _T
_HALF = _L // 2
_GH = 16
_NL = 16
_I32 = jnp.int32
_F32 = jnp.float32


def _sig(x):
    return 1.0 / (1.0 + jnp.exp(-x))


_DNUMS = lax.GatherDimensionNumbers(
    offset_dims=(), collapsed_slice_dims=(0,), start_index_map=(0,))


def _reg_gather(x, idx):
    return lax.gather(x, idx[:, None], _DNUMS, slice_sizes=(1,),
                      mode=lax.GatherScatterMode.PROMISE_IN_BOUNDS)


def _splat_pair(lo, hi, k):
    kv = jnp.broadcast_to(jnp.asarray(k, _I32), (_NL,))
    idx = jnp.bitwise_and(kv, _NL - 1)
    return jnp.where(kv < _NL, _reg_gather(lo, idx), _reg_gather(hi, idx))


def _allsum(x, lanes):
    for sh in (8, 4, 2, 1):
        x = x + _reg_gather(x, jnp.bitwise_xor(lanes, sh))
    return x


def _zz():
    return jnp.zeros((_NL,), _F32)


def _body(a_hbm, v_hbm, hWT_hbm, wWT_hbm, hb_hbm, wb_hbm, conv_hbm,
          oa_hbm, ov_hbm,
          a_v, v_v, sums_v, stats_v, c_v, s_v,
          hWT_v, wWT_v, hb_v, wb_v, conv_v, stats_sh):
    c_id = lax.axis_index("c")
    s_id = lax.axis_index("s")
    i = c_id * 8 + s_id // 2
    i_loc = s_id // 2
    h = s_id % 2
    base = h * _HALF
    inv_g = 1.0 / _G
    inv_d = 1.0 / _D
    third = 1.0 / 3.0
    lanes = lax.iota(_I32, _NL)

    pltpu.sync_copy(a_hbm.at[i, :, pl.ds(base, _HALF)], a_v)
    pltpu.sync_copy(v_hbm.at[i, :, pl.ds(base, _HALF)], v_v)
    pltpu.sync_copy(hWT_hbm, hWT_v)
    pltpu.sync_copy(wWT_hbm, wWT_v)
    pltpu.sync_copy(hb_hbm, hb_v)
    pltpu.sync_copy(wb_hbm, wb_v)
    pltpu.sync_copy(conv_hbm, conv_v)

    def group_sum(src, out_slot):
        def per_row(d, _):
            def per_group(gl, rowsums):
                col = gl * _G
                acc = (src[d, pl.ds(col, _NL)]
                       + src[d, pl.ds(col + _NL, _NL)]
                       + src[d, pl.ds(col + 2 * _NL, _NL)]
                       + src[d, pl.ds(col + 3 * _NL, _NL)])
                rs = _allsum(acc, lanes)
                gv = jnp.broadcast_to(jnp.asarray(gl, _I32), (_NL,))
                return jnp.where(lanes == gv, rs, rowsums)
            rowsums = lax.fori_loop(0, _GH, per_group, _zz())
            sums_v[out_slot, d, pl.ds(0, _NL)] = rowsums
            return 0
        lax.fori_loop(0, _D, per_row, 0)

    group_sum(a_v, 0)
    group_sum(v_v, 1)

    pltpu.sync_copy(sums_v, stats_sh.at[i_loc, h])
    plsc.subcore_barrier()
    pltpu.sync_copy(stats_sh.at[i_loc], stats_v)

    w0 = conv_v[0, pl.ds(0, _NL)]
    w1 = conv_v[1, pl.ds(0, _NL)]
    cb = conv_v[2, pl.ds(0, _NL)]

    def hw_row(d, carry):
        rm_lo, rm_hi, cm_lo, cm_hi = carry
        a_glo = stats_v[0, 0, d, pl.ds(0, _NL)] * inv_g
        a_ghi = stats_v[1, 0, d, pl.ds(0, _NL)] * inv_g
        v_glo = stats_v[0, 1, d, pl.ds(0, _NL)] * inv_g
        v_ghi = stats_v[1, 1, d, pl.ds(0, _NL)] * inv_g
        hwlo = (a_glo + v_glo) * 0.5
        hwhi = (a_ghi + v_ghi) * 0.5
        c_v[d, pl.ds(0, _NL)] = _sig(w0 * a_glo + w1 * v_glo + cb)
        c_v[d, pl.ds(_NL, _NL)] = _sig(w0 * a_ghi + w1 * v_ghi + cb)
        cs = _allsum(hwlo + hwhi, lanes) * inv_d
        dv = jnp.broadcast_to(jnp.asarray(d, _I32), (_NL,))
        cm_lo = jnp.where(lanes == dv, cs, cm_lo)
        cm_hi = jnp.where(lanes == dv - _NL, cs, cm_hi)
        return rm_lo + hwlo, rm_hi + hwhi, cm_lo, cm_hi

    rm_lo, rm_hi, cm_lo, cm_hi = lax.fori_loop(
        0, _D, hw_row, (_zz(), _zz(), _zz(), _zz()))
    rm_lo = rm_lo * inv_d
    rm_hi = rm_hi * inv_d

    def h_acc(k, carry):
        hl, hh = carry
        s = _splat_pair(rm_lo, rm_hi, k)
        return (hl + hWT_v[k, pl.ds(0, _NL)] * s,
                hh + hWT_v[k, pl.ds(_NL, _NL)] * s)

    hl, hh = lax.fori_loop(0, _T, h_acc, (_zz(), _zz()))
    h_lo = _sig(hl + hb_v[pl.ds(0, _NL)])
    h_hi = _sig(hh + hb_v[pl.ds(_NL, _NL)])

    def w_acc(k, carry):
        wl, wh = carry
        s = _splat_pair(cm_lo, cm_hi, k)
        return (wl + wWT_v[k, pl.ds(0, _NL)] * s,
                wh + wWT_v[k, pl.ds(_NL, _NL)] * s)

    wl, wh = lax.fori_loop(0, _T, w_acc, (_zz(), _zz()))
    w_lo = _sig(wl + wb_v[pl.ds(0, _NL)])
    w_hi = _sig(wh + wb_v[pl.ds(_NL, _NL)])

    def s_row(d, _):
        wd = _splat_pair(w_lo, w_hi, d)
        s_v[d, pl.ds(0, _NL)] = (h_lo + wd + c_v[d, pl.ds(0, _NL)]) * third
        s_v[d, pl.ds(_NL, _NL)] = (h_hi + wd + c_v[d, pl.ds(_NL, _NL)]) * third
        return 0

    lax.fori_loop(0, _D, s_row, 0)

    def mul_row(d, _):
        srow_lo = s_v[d, pl.ds(0, _NL)]
        srow_hi = s_v[d, pl.ds(_NL, _NL)]

        def per_group(gl, _):
            sc = _splat_pair(srow_lo, srow_hi, _GH * h + gl)
            col = gl * _G
            for q in range(4):
                cq = col + q * _NL
                a_v[d, pl.ds(cq, _NL)] = a_v[d, pl.ds(cq, _NL)] * sc
                v_v[d, pl.ds(cq, _NL)] = v_v[d, pl.ds(cq, _NL)] * sc
            return 0

        lax.fori_loop(0, _GH, per_group, 0)
        return 0

    lax.fori_loop(0, _D, mul_row, 0)
    pltpu.sync_copy(a_v, oa_hbm.at[i, :, pl.ds(base, _HALF)])
    pltpu.sync_copy(v_v, ov_hbm.at[i, :, pl.ds(base, _HALF)])


def kernel(acoustic_seq, visual_seq, IS_BAG_list, hW, hb, wW, wb, convW,
           convb):
    del IS_BAG_list
    at = jnp.transpose(acoustic_seq, (0, 2, 1))
    vt = jnp.transpose(visual_seq, (0, 2, 1))
    conv = jnp.stack([
        jnp.full((_NL,), convW[0, 0, 0, 0], _F32),
        jnp.full((_NL,), convW[0, 1, 0, 0], _F32),
        jnp.full((_NL,), convb[0], _F32),
    ])
    mesh = plsc.VectorSubcoreMesh(core_axis_name="c", subcore_axis_name="s")
    run = functools.partial(
        pl.kernel,
        mesh=mesh,
        out_type=[
            jax.ShapeDtypeStruct((_B, _D, _L), _F32),
            jax.ShapeDtypeStruct((_B, _D, _L), _F32),
        ],
        scratch_types=[
            pltpu.VMEM((_D, _HALF), _F32),
            pltpu.VMEM((_D, _HALF), _F32),
            pltpu.VMEM((2, _D, _GH), _F32),
            pltpu.VMEM((2, 2, _D, _GH), _F32),
            pltpu.VMEM((_D, _T), _F32),
            pltpu.VMEM((_D, _T), _F32),
            pltpu.VMEM((_T, _T), _F32),
            pltpu.VMEM((_T, _T), _F32),
            pltpu.VMEM((_T,), _F32),
            pltpu.VMEM((_T,), _F32),
            pltpu.VMEM((3, _NL), _F32),
            pltpu.VMEM_SHARED((8, 2, 2, _D, _GH), _F32),
        ],
    )(_body)
    out_a, out_v = run(at, vt, hW.T, wW.T, hb, wb, conv)
    return jnp.transpose(out_a, (0, 2, 1)), jnp.transpose(out_v, (0, 2, 1))

# --- scband reference (transcript-rebuilt; emitter-appended) ---
"""Pipeline reference for scband-bimodal-attention-50002009260177 (READ-ONLY COPY).

The authoritative reference and input builder live on the scoring server;
editing this copy changes nothing except your own understanding.
"""

import jax, jax.numpy as jnp
import numpy as np
import random

TARGET_LEN = 32
AV_DIM = 32


def resize_sequence(sequence, target_len):
    current_len = int(sequence.shape[0])
    if current_len == target_len:
        mapping = np.arange(target_len, dtype=np.int64)
        return sequence, mapping
    elif current_len < target_len:
        repeats = target_len // current_len
        remainder = target_len % current_len
        repeats_list = [repeats] * current_len
        for i in range(remainder):
            repeats_list[i] += 1
        random.shuffle(repeats_list)
        indices = []
        mapping = np.zeros(target_len, dtype=np.int64)
        counter = 0
        for i in range(current_len):
            for _ in range(repeats_list[i]):
                indices.append(i)
                mapping[counter] = i
                counter += 1
        return sequence[np.array(indices, dtype=np.int64)], mapping
    else:
        group_size = current_len // target_len
        remainder = current_len % target_len
        group_list = [group_size] * target_len
        for i in range(remainder):
            group_list[i] += 1
        random.shuffle(group_list)
        mapping = np.zeros(current_len, dtype=np.int64)
        rows = []
        start = 0
        for counter, size in enumerate(group_list):
            rows.append(jnp.mean(sequence[start:start + size, :], axis=0))
            mapping[start:start + size] = counter
            start += size
        return jnp.stack(rows, axis=0), mapping


def recover_sequence(att_list, mapping_list, v_len, target_len, av_dim):
    out = []
    for att, mapping, m_len in zip(att_list, mapping_list, v_len):
        m_len = int(m_len)
        if m_len == target_len:
            out.append(att)
        elif m_len > target_len:
            out.append(att[mapping])
        else:
            Bv = jnp.ones((mapping.shape[0],), dtype=att.dtype)
            div = jnp.zeros((m_len,), dtype=att.dtype).at[mapping].add(Bv)
            new_att = jnp.zeros((m_len, av_dim), dtype=att.dtype).at[mapping].add(att)
            out.append(new_att / div[:, None])
    return out


def _forward(acoustic_seq, visual_seq, hW, hb, wW, wb, convW, convb, IS_np):
    random.seed(0)
    Bn = acoustic_seq.shape[0]
    target_len, av_dim = TARGET_LEN, AV_DIM
    L = IS_np.shape[1]
    mask = IS_np == 1
    bag_len = [L] * Bn
    output_list = []
    mapping_list = []
    for i in range(Bn):
        aco_sel = jnp.where(mask[i][:, None], acoustic_seq[i], jnp.zeros((), acoustic_seq.dtype))
        vis_sel = jnp.where(mask[i][:, None], visual_seq[i], jnp.zeros((), visual_seq.dtype))
        aco_r, aco_map = resize_sequence(aco_sel, target_len)
        vis_r, vis_map = resize_sequence(vis_sel, target_len)
        output_list.append(jnp.stack([aco_r, vis_r], axis=0))
        mapping_list.append(vis_map)
    attention = jnp.stack(output_list, axis=0)
    c_att = jax.nn.sigmoid(jnp.einsum('bcta,c->bta', attention, convW[0, :, 0, 0]) + convb[0])
    hw_att = jnp.mean(attention, axis=1)
    h_att = jax.nn.sigmoid(jnp.mean(hw_att, axis=2) @ hW.T + hb)
    w_att = jax.nn.sigmoid(jnp.mean(hw_att, axis=1) @ wW.T + wb)
    h_full = jnp.broadcast_to(h_att[:, :, None], (Bn, target_len, av_dim))
    w_full = jnp.broadcast_to(w_att[:, None, :], (Bn, target_len, av_dim))
    h_list = recover_sequence([h_full[i] for i in range(Bn)], mapping_list, bag_len, target_len, av_dim)
    w_list = recover_sequence([w_full[i] for i in range(Bn)], mapping_list, bag_len, target_len, av_dim)
    c_list = recover_sequence([c_att[i] for i in range(Bn)], mapping_list, bag_len, target_len, av_dim)
    aco_out = []
    vis_out = []
    for i in range(Bn):
        a = acoustic_seq[i]
        v = visual_seq[i]
        scale = (h_list[i] + w_list[i] + c_list[i]) / 3.0
        a = jnp.where(mask[i][:, None], a * scale, a)
        v = jnp.where(mask[i][:, None], v * scale, v)
        aco_out.append(a)
        vis_out.append(v)
    return jnp.stack(aco_out, axis=0), jnp.stack(vis_out, axis=0)


def setup_inputs(seed: int = 0):
    key = jax.random.key(seed)
    ks = jax.random.split(key, 6)
    B, L = 16, 2048
    acoustic_seq = jax.random.normal(ks[0], (B, L, AV_DIM), dtype=jnp.float32)
    visual_seq = jax.random.normal(ks[1], (B, L, AV_DIM), dtype=jnp.float32)
    IS_BAG_list = jnp.ones((B, L), dtype=jnp.int32)
    hW = jax.random.normal(ks[2], (TARGET_LEN, TARGET_LEN), dtype=jnp.float32) * 0.1
    hb = jnp.zeros((TARGET_LEN,), dtype=jnp.float32)
    wW = jax.random.normal(ks[3], (AV_DIM, AV_DIM), dtype=jnp.float32) * 0.1
    wb = jnp.zeros((AV_DIM,), dtype=jnp.float32)
    convW = jax.random.normal(ks[4], (1, 2, 1, 1), dtype=jnp.float32) * 0.5
    convb = jnp.zeros((1,), dtype=jnp.float32)
    return {'acoustic_seq': acoustic_seq, 'visual_seq': visual_seq, 'IS_BAG_list': IS_BAG_list,
            'hW': hW, 'hb': hb, 'wW': wW, 'wb': wb, 'convW': convW, 'convb': convb}


def reference(acoustic_seq, visual_seq, IS_BAG_list, hW, hb, wW, wb, convW, convb):
    return _forward(acoustic_seq, visual_seq, hW, hb, wW, wb, convW, convb, IS_BAG_list)

if __name__ == "__main__":
    import jax
    _d = setup_inputs()
    print(jax.jit(kernel)(*tuple(_d.values())))

</pallas_src>

<mosaic_0001>
#map = affine_map<(d0, d1) -> (0, 0, 0)>
#map1 = affine_map<(d0, d1) -> (0, 0)>
#map2 = affine_map<(d0, d1) -> (0)>
module attributes {stable_mosaic.version = 14 : i64} {
  func.func @_body(%arg0: i32, %arg1: i32, %arg2: memref<16x32x2048xf32, #tpu.memory_space<hbm>>, %arg3: memref<16x32x2048xf32, #tpu.memory_space<hbm>>, %arg4: memref<32x32xf32, #tpu.memory_space<hbm>>, %arg5: memref<32x32xf32, #tpu.memory_space<hbm>>, %arg6: memref<32xf32, #tpu.memory_space<hbm>>, %arg7: memref<32xf32, #tpu.memory_space<hbm>>, %arg8: memref<3x16xf32, #tpu.memory_space<hbm>>, %arg9: memref<16x32x2048xf32, #tpu.memory_space<hbm>>, %arg10: memref<16x32x2048xf32, #tpu.memory_space<hbm>>, %arg11: memref<32x1024xf32, #tpu.memory_space<vmem>>, %arg12: memref<32x1024xf32, #tpu.memory_space<vmem>>, %arg13: memref<2x32x16xf32, #tpu.memory_space<vmem>>, %arg14: memref<2x2x32x16xf32, #tpu.memory_space<vmem>>, %arg15: memref<32x32xf32, #tpu.memory_space<vmem>>, %arg16: memref<32x32xf32, #tpu.memory_space<vmem>>, %arg17: memref<32x32xf32, #tpu.memory_space<vmem>>, %arg18: memref<32x32xf32, #tpu.memory_space<vmem>>, %arg19: memref<32xf32, #tpu.memory_space<vmem>>, %arg20: memref<32xf32, #tpu.memory_space<vmem>>, %arg21: memref<3x16xf32, #tpu.memory_space<vmem>>, %arg22: memref<8x2x2x32x16xf32, #tpu.memory_space<vmem_shared>>) attributes {dimension_semantics = [#tpu.dimension_semantics<core_parallel>, #tpu.dimension_semantics<subcore_parallel>], iteration_bounds = array<i64: 2, 16>, scalar_prefetch = 0 : i64, scratch_operands = 12 : i64, tpu.core_type = #tpu.core_type<sc_vector_subcore>, window_params = [{transform_indices = #map}, {transform_indices = #map}, {transform_indices = #map1}, {transform_indices = #map1}, {transform_indices = #map2}, {transform_indices = #map2}, {transform_indices = #map1}, {transform_indices = #map}, {transform_indices = #map}]} {
    %mul3A = arith.constant 8 : i32
    %mul3A_0 = arith.muli %arg0, %mul3A : i32
    %jit3A = arith.constant 2 : i32
    %div3A = arith.divsi %arg1, %jit3A : i32
    %sign3A = arith.constant 0 : i32
    %sign3A_1 = arith.cmpi sgt, %arg1, %sign3A : i32
    %sign3A_2 = arith.extui %sign3A_1 : i1 to i32
    %sign3A_3 = arith.constant 0 : i32
    %sign3A_4 = arith.cmpi slt, %arg1, %sign3A_3 : i32
    %sign3A_5 = arith.extui %sign3A_4 : i1 to i32
    %sign3A_6 = arith.subi %sign3A_2, %sign3A_5 : i32
    %sign3A_7 = arith.constant 0 : i32
    %sign3A_8 = arith.cmpi sgt, %jit3A, %sign3A_7 : i32
    %sign3A_9 = arith.extui %sign3A_8 : i1 to i32
    %sign3A_10 = arith.constant 0 : i32
    %sign3A_11 = arith.cmpi slt, %jit3A, %sign3A_10 : i32
    %sign3A_12 = arith.extui %sign3A_11 : i1 to i32
    %sign3A_13 = arith.subi %sign3A_9, %sign3A_12 : i32
    %ne3A = arith.cmpi ne, %sign3A_6, %sign3A_13 : i32
    %rem3A = arith.remsi %arg1, %jit3A : i32
    %ne3A_14 = arith.constant 0 : i32
    %ne3A_15 = arith.cmpi ne, %rem3A, %ne3A_14 : i32
    %and3A = arith.andi %ne3A, %ne3A_15 : i1
    %sub3A = arith.constant 1 : i32
    %sub3A_16 = arith.subi %div3A, %sub3A : i32
    %select_n3A = arith.select %and3A, %sub3A_16, %div3A : i32
    %add3A = arith.addi %mul3A_0, %select_n3A : i32
    %jit3A_17 = arith.constant 2 : i32
    %div3A_18 = arith.divsi %arg1, %jit3A_17 : i32
    %sign3A_19 = arith.constant 0 : i32
    %sign3A_20 = arith.cmpi sgt, %arg1, %sign3A_19 : i32
    %sign3A_21 = arith.extui %sign3A_20 : i1 to i32
    %sign3A_22 = arith.constant 0 : i32
    %sign3A_23 = arith.cmpi slt, %arg1, %sign3A_22 : i32
    %sign3A_24 = arith.extui %sign3A_23 : i1 to i32
    %sign3A_25 = arith.subi %sign3A_21, %sign3A_24 : i32
    %sign3A_26 = arith.constant 0 : i32
    %sign3A_27 = arith.cmpi sgt, %jit3A_17, %sign3A_26 : i32
    %sign3A_28 = arith.extui %sign3A_27 : i1 to i32
    %sign3A_29 = arith.constant 0 : i32
    %sign3A_30 = arith.cmpi slt, %jit3A_17, %sign3A_29 : i32
    %sign3A_31 = arith.extui %sign3A_30 : i1 to i32
    %sign3A_32 = arith.subi %sign3A_28, %sign3A_31 : i32
    %ne3A_33 = arith.cmpi ne, %sign3A_25, %sign3A_32 : i32
    %rem3A_34 = arith.remsi %arg1, %jit3A_17 : i32
    %ne3A_35 = arith.constant 0 : i32
    %ne3A_36 = arith.cmpi ne, %rem3A_34, %ne3A_35 : i32
    %and3A_37 = arith.andi %ne3A_33, %ne3A_36 : i1
    %sub3A_38 = arith.constant 1 : i32
    %sub3A_39 = arith.subi %div3A_18, %sub3A_38 : i32
    %select_n3A_40 = arith.select %and3A_37, %sub3A_39, %div3A_18 : i32
    %jit3A_41 = arith.constant 2 : i32
    %eq3A = arith.constant 0 : i32
    %eq3A_42 = arith.cmpi eq, %jit3A_41, %eq3A : i32
    %jit3A_43 = arith.constant 1 : i32
    %select_n3A_44 = arith.select %eq3A_42, %jit3A_43, %jit3A_41 : i32
    %rem3A_45 = arith.remsi %arg1, %select_n3A_44 : i32
    %ne3A_46 = arith.constant 0 : i32
    %ne3A_47 = arith.cmpi ne, %rem3A_45, %ne3A_46 : i32
    %lt3A = arith.constant 0 : i32
    %lt3A_48 = arith.cmpi slt, %rem3A_45, %lt3A : i32
    %lt3A_49 = arith.constant 0 : i32
    %lt3A_50 = arith.cmpi slt, %select_n3A_44, %lt3A_49 : i32
    %ne3A_51 = arith.xori %lt3A_48, %lt3A_50 : i1
    %and3A_52 = arith.andi %ne3A_51, %ne3A_47 : i1
    %add3A_53 = arith.addi %rem3A_45, %select_n3A_44 : i32
    %select_n3A_54 = arith.select %and3A_52, %add3A_53, %rem3A_45 : i32
    %mul3A_55 = arith.constant 1024 : i32
    %mul3A_56 = arith.muli %select_n3A_54, %mul3A_55 : i32
    %iota3A = tpu.iota {dimensions = array<i32: 0>} : vector<16xi32>
    "tpu.region"() ({
      %run_scoped3A = tpu.sem_alloc : memref<!tpu.dma_semaphore, #tpu.memory_space<semaphore_mem>>
      %dma_start3A = arith.constant 0 : i32
      %dma_start3A_191 = tpu.memref_slice %arg2[%add3A, %dma_start3A, %mul3A_56] : memref<16x32x2048xf32, #tpu.memory_space<hbm>> -> memref<1x32x1024xf32, #tpu.memory_space<hbm>>
      %dma_start3A_192 = tpu.memref_squeeze %dma_start3A_191 : memref<1x32x1024xf32, #tpu.memory_space<hbm>> -> memref<32x1024xf32, #tpu.memory_space<hbm>>
      %dma_start3A_193 = arith.constant 0 : i32
      %dma_start3A_194 = tpu.memref_slice %arg2[%add3A, %dma_start3A_193, %mul3A_56] : memref<16x32x2048xf32, #tpu.memory_space<hbm>> -> memref<1x32x1024xf32, #tpu.memory_space<hbm>>
      %dma_start3A_195 = tpu.memref_squeeze %dma_start3A_194 : memref<1x32x1024xf32, #tpu.memory_space<hbm>> -> memref<32x1024xf32, #tpu.memory_space<hbm>>
      tpu.enqueue_dma source(%dma_start3A_195 : memref<32x1024xf32, #tpu.memory_space<hbm>>) target(%arg11 : memref<32x1024xf32, #tpu.memory_space<vmem>>) target_semaphore(%run_scoped3A : memref<!tpu.dma_semaphore, #tpu.memory_space<semaphore_mem>>)
      %dma_wait3A = arith.constant 0 : i32
      %dma_wait3A_196 = tpu.memref_slice %arg2[%add3A, %dma_wait3A, %mul3A_56] : memref<16x32x2048xf32, #tpu.memory_space<hbm>> -> memref<1x32x1024xf32, #tpu.memory_space<hbm>>
      %dma_wait3A_197 = tpu.memref_squeeze %dma_wait3A_196 : memref<1x32x1024xf32, #tpu.memory_space<hbm>> -> memref<32x1024xf32, #tpu.memory_space<hbm>>
      %dma_wait3A_198 = arith.constant 0 : i32
      %dma_wait3A_199 = tpu.memref_slice %arg2[%add3A, %dma_wait3A_198, %mul3A_56] : memref<16x32x2048xf32, #tpu.memory_space<hbm>> -> memref<1x32x1024xf32, #tpu.memory_space<hbm>>
      %dma_wait3A_200 = tpu.memref_squeeze %dma_wait3A_199 : memref<1x32x1024xf32, #tpu.memory_space<hbm>> -> memref<32x1024xf32, #tpu.memory_space<hbm>>
      tpu.wait_dma2 semaphore(%run_scoped3A : memref<!tpu.dma_semaphore, #tpu.memory_space<semaphore_mem>>) src(%dma_wait3A_200 : memref<32x1024xf32, #tpu.memory_space<hbm>>) dst(%arg11 : memref<32x1024xf32, #tpu.memory_space<vmem>>)
      tpu.yield
    }) : () -> ()
    "tpu.region"() ({
      %run_scoped3A = tpu.sem_alloc : memref<!tpu.dma_semaphore, #tpu.memory_space<semaphore_mem>>
      %dma_start3A = arith.constant 0 : i32
      %dma_start3A_191 = tpu.memref_slice %arg3[%add3A, %dma_start3A, %mul3A_56] : memref<16x32x2048xf32, #tpu.memory_space<hbm>> -> memref<1x32x1024xf32, #tpu.memory_space<hbm>>
      %dma_start3A_192 = tpu.memref_squeeze %dma_start3A_191 : memref<1x32x1024xf32, #tpu.memory_space<hbm>> -> memref<32x1024xf32, #tpu.memory_space<hbm>>
      %dma_start3A_193 = arith.constant 0 : i32
      %dma_start3A_194 = tpu.memref_slice %arg3[%add3A, %dma_start3A_193, %mul3A_56] : memref<16x32x2048xf32, #tpu.memory_space<hbm>> -> memref<1x32x1024xf32, #tpu.memory_space<hbm>>
      %dma_start3A_195 = tpu.memref_squeeze %dma_start3A_194 : memref<1x32x1024xf32, #tpu.memory_space<hbm>> -> memref<32x1024xf32, #tpu.memory_space<hbm>>
      tpu.enqueue_dma source(%dma_start3A_195 : memref<32x1024xf32, #tpu.memory_space<hbm>>) target(%arg12 : memref<32x1024xf32, #tpu.memory_space<vmem>>) target_semaphore(%run_scoped3A : memref<!tpu.dma_semaphore, #tpu.memory_space<semaphore_mem>>)
      %dma_wait3A = arith.constant 0 : i32
      %dma_wait3A_196 = tpu.memref_slice %arg3[%add3A, %dma_wait3A, %mul3A_56] : memref<16x32x2048xf32, #tpu.memory_space<hbm>> -> memref<1x32x1024xf32, #tpu.memory_space<hbm>>
      %dma_wait3A_197 = tpu.memref_squeeze %dma_wait3A_196 : memref<1x32x1024xf32, #tpu.memory_space<hbm>> -> memref<32x1024xf32, #tpu.memory_space<hbm>>
      %dma_wait3A_198 = arith.constant 0 : i32
      %dma_wait3A_199 = tpu.memref_slice %arg3[%add3A, %dma_wait3A_198, %mul3A_56] : memref<16x32x2048xf32, #tpu.memory_space<hbm>> -> memref<1x32x1024xf32, #tpu.memory_space<hbm>>
      %dma_wait3A_200 = tpu.memref_squeeze %dma_wait3A_199 : memref<1x32x1024xf32, #tpu.memory_space<hbm>> -> memref<32x1024xf32, #tpu.memory_space<hbm>>
      tpu.wait_dma2 semaphore(%run_scoped3A : memref<!tpu.dma_semaphore, #tpu.memory_space<semaphore_mem>>) src(%dma_wait3A_200 : memref<32x1024xf32, #tpu.memory_space<hbm>>) dst(%arg12 : memref<32x1024xf32, #tpu.memory_space<vmem>>)
      tpu.yield
    }) : () -> ()
    "tpu.region"() ({
      %run_scoped3A = tpu.sem_alloc : memref<!tpu.dma_semaphore, #tpu.memory_space<semaphore_mem>>
      tpu.enqueue_dma source(%arg4 : memref<32x32xf32, #tpu.memory_space<hbm>>) target(%arg17 : memref<32x32xf32, #tpu.memory_space<vmem>>) target_semaphore(%run_scoped3A : memref<!tpu.dma_semaphore, #tpu.memory_space<semaphore_mem>>)
      tpu.wait_dma2 semaphore(%run_scoped3A : memref<!tpu.dma_semaphore, #tpu.memory_space<semaphore_mem>>) src(%arg4 : memref<32x32xf32, #tpu.memory_space<hbm>>) dst(%arg17 : memref<32x32xf32, #tpu.memory_space<vmem>>)
      tpu.yield
    }) : () -> ()
    "tpu.region"() ({
      %run_scoped3A = tpu.sem_alloc : memref<!tpu.dma_semaphore, #tpu.memory_space<semaphore_mem>>
      tpu.enqueue_dma source(%arg5 : memref<32x32xf32, #tpu.memory_space<hbm>>) target(%arg18 : memref<32x32xf32, #tpu.memory_space<vmem>>) target_semaphore(%run_scoped3A : memref<!tpu.dma_semaphore, #tpu.memory_space<semaphore_mem>>)
      tpu.wait_dma2 semaphore(%run_scoped3A : memref<!tpu.dma_semaphore, #tpu.memory_space<semaphore_mem>>) src(%arg5 : memref<32x32xf32, #tpu.memory_space<hbm>>) dst(%arg18 : memref<32x32xf32, #tpu.memory_space<vmem>>)
      tpu.yield
    }) : () -> ()
    "tpu.region"() ({
      %run_scoped3A = tpu.sem_alloc : memref<!tpu.dma_semaphore, #tpu.memory_space<semaphore_mem>>
      tpu.enqueue_dma source(%arg6 : memref<32xf32, #tpu.memory_space<hbm>>) target(%arg19 : memref<32xf32, #tpu.memory_space<vmem>>) target_semaphore(%run_scoped3A : memref<!tpu.dma_semaphore, #tpu.memory_space<semaphore_mem>>)
      tpu.wait_dma2 semaphore(%run_scoped3A : memref<!tpu.dma_semaphore, #tpu.memory_space<semaphore_mem>>) src(%arg6 : memref<32xf32, #tpu.memory_space<hbm>>) dst(%arg19 : memref<32xf32, #tpu.memory_space<vmem>>)
      tpu.yield
    }) : () -> ()
    "tpu.region"() ({
      %run_scoped3A = tpu.sem_alloc : memref<!tpu.dma_semaphore, #tpu.memory_space<semaphore_mem>>
      tpu.enqueue_dma source(%arg7 : memref<32xf32, #tpu.memory_space<hbm>>) target(%arg20 : memref<32xf32, #tpu.memory_space<vmem>>) target_semaphore(%run_scoped3A : memref<!tpu.dma_semaphore, #tpu.memory_space<semaphore_mem>>)
      tpu.wait_dma2 semaphore(%run_scoped3A : memref<!tpu.dma_semaphore, #tpu.memory_space<semaphore_mem>>) src(%arg7 : memref<32xf32, #tpu.memory_space<hbm>>) dst(%arg20 : memref<32xf32, #tpu.memory_space<vmem>>)
      tpu.yield
    }) : () -> ()
    "tpu.region"() ({
      %run_scoped3A = tpu.sem_alloc : memref<!tpu.dma_semaphore, #tpu.memory_space<semaphore_mem>>
      tpu.enqueue_dma source(%arg8 : memref<3x16xf32, #tpu.memory_space<hbm>>) target(%arg21 : memref<3x16xf32, #tpu.memory_space<vmem>>) target_semaphore(%run_scoped3A : memref<!tpu.dma_semaphore, #tpu.memory_space<semaphore_mem>>)
      tpu.wait_dma2 semaphore(%run_scoped3A : memref<!tpu.dma_semaphore, #tpu.memory_space<semaphore_mem>>) src(%arg8 : memref<3x16xf32, #tpu.memory_space<hbm>>) dst(%arg21 : memref<3x16xf32, #tpu.memory_space<vmem>>)
      tpu.yield
    }) : () -> ()
    %scan3A = arith.constant 0 : i32
    %scan3A_57 = arith.constant 0 : i32
    %scan3A_58 = arith.constant 32 : i32
    %scan3A_59 = arith.addi %scan3A_57, %scan3A_58 : i32
    %scan3A_60 = arith.constant 1 : i32
    %scan3A_61 = scf.for %scan3A_191 = %scan3A_57 to %scan3A_59 step %scan3A_60 iter_args(%scan3A_192 = %scan3A) -> (i32)  : i32 {
      %broadcast_in_dim3A_193 = arith.constant 0.000000e+00 : f32
      %broadcast_in_dim3A_194 = vector.broadcast %broadcast_in_dim3A_193 : f32 to vector<16xf32>
      %scan3A_195 = arith.constant 0 : i32
      %scan3A_196 = arith.constant 16 : i32
      %scan3A_197 = arith.addi %scan3A_195, %scan3A_196 : i32
      %scan3A_198 = arith.constant 1 : i32
      %scan3A_199 = scf.for %scan3A_208 = %scan3A_195 to %scan3A_197 step %scan3A_198 iter_args(%scan3A_209 = %broadcast_in_dim3A_194) -> (vector<16xf32>)  : i32 {
        %mul3A_210 = arith.constant 64 : i32
        %mul3A_211 = arith.muli %scan3A_208, %mul3A_210 : i32
        %get3A_212 = arith.index_cast %scan3A_191 : i32 to index
        %get3A_213 = arith.index_cast %mul3A_211 : i32 to index
        %get3A_214 = tpu.vector_load %arg11[%get3A_212, %get3A_213] {strides = array<i32>} : memref<32x1024xf32, #tpu.memory_space<vmem>>, vector<1x16xf32>,
        %get3A_215 = vector.shape_cast %get3A_214 : vector<1x16xf32> to vector<16xf32>
        %add3A_216 = arith.constant 16 : i32
        %add3A_217 = arith.addi %mul3A_211, %add3A_216 : i32
        %get3A_218 = arith.index_cast %scan3A_191 : i32 to index
        %get3A_219 = arith.index_cast %add3A_217 : i32 to index
        %get3A_220 = tpu.vector_load %arg11[%get3A_218, %get3A_219] {strides = array<i32>} : memref<32x1024xf32, #tpu.memory_space<vmem>>, vector<1x16xf32>,
        %get3A_221 = vector.shape_cast %get3A_220 : vector<1x16xf32> to vector<16xf32>
        %add3A_222 = arith.addf %get3A_215, %get3A_221 : vector<16xf32>
        %add3A_223 = arith.constant 32 : i32
        %add3A_224 = arith.addi %mul3A_211, %add3A_223 : i32
        %get3A_225 = arith.index_cast %scan3A_191 : i32 to index
        %get3A_226 = arith.index_cast %add3A_224 : i32 to index
        %get3A_227 = tpu.vector_load %arg11[%get3A_225, %get3A_226] {strides = array<i32>} : memref<32x1024xf32, #tpu.memory_space<vmem>>, vector<1x16xf32>,
        %get3A_228 = vector.shape_cast %get3A_227 : vector<1x16xf32> to vector<16xf32>
        %add3A_229 = arith.addf %add3A_222, %get3A_228 : vector<16xf32>
        %add3A_230 = arith.constant 48 : i32
        %add3A_231 = arith.addi %mul3A_211, %add3A_230 : i32
        %get3A_232 = arith.index_cast %scan3A_191 : i32 to index
        %get3A_233 = arith.index_cast %add3A_231 : i32 to index
        %get3A_234 = tpu.vector_load %arg11[%get3A_232, %get3A_233] {strides = array<i32>} : memref<32x1024xf32, #tpu.memory_space<vmem>>, vector<1x16xf32>,
        %get3A_235 = vector.shape_cast %get3A_234 : vector<1x16xf32> to vector<16xf32>
        %add3A_236 = arith.addf %add3A_229, %get3A_235 : vector<16xf32>
        %xor3A = arith.constant 8 : i32
        %xor3A_237 = vector.broadcast %xor3A : i32 to vector<16xi32>
        %xor3A_238 = arith.xori %iota3A, %xor3A_237 : vector<16xi32>
        %broadcast_in_dim3A_239 = vector.shape_cast %xor3A_238 : vector<16xi32> to vector<16x1xi32>
        %gather3A = vector.shape_cast %broadcast_in_dim3A_239 : vector<16x1xi32> to vector<16xi32>
        %gather3A_240 = tpu.dynamic_gather %add3A_236[%gather3A] in [0] : vector<16xf32>, vector<16xi32> -> vector<16xf32>
        %add3A_241 = arith.addf %add3A_236, %gather3A_240 : vector<16xf32>
        %xor3A_242 = arith.constant 4 : i32
        %xor3A_243 = vector.broadcast %xor3A_242 : i32 to vector<16xi32>
        %xor3A_244 = arith.xori %iota3A, %xor3A_243 : vector<16xi32>
        %broadcast_in_dim3A_245 = vector.shape_cast %xor3A_244 : vector<16xi32> to vector<16x1xi32>
        %gather3A_246 = vector.shape_cast %broadcast_in_dim3A_245 : vector<16x1xi32> to vector<16xi32>
        %gather3A_247 = tpu.dynamic_gather %add3A_241[%gather3A_246] in [0] : vector<16xf32>, vector<16xi32> -> vector<16xf32>
        %add3A_248 = arith.addf %add3A_241, %gather3A_247 : vector<16xf32>
        %xor3A_249 = arith.constant 2 : i32
        %xor3A_250 = vector.broadcast %xor3A_249 : i32 to vector<16xi32>
        %xor3A_251 = arith.xori %iota3A, %xor3A_250 : vector<16xi32>
        %broadcast_in_dim3A_252 = vector.shape_cast %xor3A_251 : vector<16xi32> to vector<16x1xi32>
        %gather3A_253 = vector.shape_cast %broadcast_in_dim3A_252 : vector<16x1xi32> to vector<16xi32>
        %gather3A_254 = tpu.dynamic_gather %add3A_248[%gather3A_253] in [0] : vector<16xf32>, vector<16xi32> -> vector<16xf32>
        %add3A_255 = arith.addf %add3A_248, %gather3A_254 : vector<16xf32>
        %xor3A_256 = arith.constant 1 : i32
        %xor3A_257 = vector.broadcast %xor3A_256 : i32 to vector<16xi32>
        %xor3A_258 = arith.xori %iota3A, %xor3A_257 : vector<16xi32>
        %broadcast_in_dim3A_259 = vector.shape_cast %xor3A_258 : vector<16xi32> to vector<16x1xi32>
        %gather3A_260 = vector.shape_cast %broadcast_in_dim3A_259 : vector<16x1xi32> to vector<16xi32>
        %gather3A_261 = tpu.dynamic_gather %add3A_255[%gather3A_260] in [0] : vector<16xf32>, vector<16xi32> -> vector<16xf32>
        %add3A_262 = arith.addf %add3A_255, %gather3A_261 : vector<16xf32>
        %broadcast_in_dim3A_263 = vector.broadcast %scan3A_208 : i32 to vector<16xi32>
        %eq3A_264 = arith.cmpi eq, %iota3A, %broadcast_in_dim3A_263 : vector<16xi32>
        %select_n3A_265 = arith.select %eq3A_264, %add3A_262, %scan3A_209 : vector<16xi1>, vector<16xf32>
        scf.yield %select_n3A_265 : vector<16xf32>
      }
      %scan3A_200 = arith.constant 16 : i32
      %swap3A = arith.constant 0 : i32
      %swap3A_201 = arith.index_cast %swap3A : i32 to index
      %swap3A_202 = arith.index_cast %scan3A_191 : i32 to index
      %swap3A_203 = arith.constant 0 : index
      %swap3A_204 = tpu.vector_load %arg13[%swap3A_201, %swap3A_202, %swap3A_203] {strides = array<i32>} : memref<2x32x16xf32, #tpu.memory_space<vmem>>, vector<1x1x16xf32>,
      %swap3A_205 = vector.shape_cast %swap3A_204 : vector<1x1x16xf32> to vector<16xf32>
      %swap3A_206 = vector.shape_cast %scan3A_199 : vector<16xf32> to vector<1x1x16xf32>
      tpu.vector_store %arg13[%swap3A_201, %swap3A_202, %swap3A_203], %swap3A_206 {strides = array<i32>} : memref<2x32x16xf32, #tpu.memory_space<vmem>>, vector<1x1x16xf32>,
      %scan3A_207 = arith.constant 0 : i32
      scf.yield %scan3A_207 : i32
    }
    %scan3A_62 = arith.constant 32 : i32
    %scan3A_63 = arith.constant 0 : i32
    %scan3A_64 = arith.constant 0 : i32
    %scan3A_65 = arith.constant 32 : i32
    %scan3A_66 = arith.addi %scan3A_64, %scan3A_65 : i32
    %scan3A_67 = arith.constant 1 : i32
    %scan3A_68 = scf.for %scan3A_191 = %scan3A_64 to %scan3A_66 step %scan3A_67 iter_args(%scan3A_192 = %scan3A_63) -> (i32)  : i32 {
      %broadcast_in_dim3A_193 = arith.constant 0.000000e+00 : f32
      %broadcast_in_dim3A_194 = vector.broadcast %broadcast_in_dim3A_193 : f32 to vector<16xf32>
      %scan3A_195 = arith.constant 0 : i32
      %scan3A_196 = arith.constant 16 : i32
      %scan3A_197 = arith.addi %scan3A_195, %scan3A_196 : i32
      %scan3A_198 = arith.constant 1 : i32
      %scan3A_199 = scf.for %scan3A_208 = %scan3A_195 to %scan3A_197 step %scan3A_198 iter_args(%scan3A_209 = %broadcast_in_dim3A_194) -> (vector<16xf32>)  : i32 {
        %mul3A_210 = arith.constant 64 : i32
        %mul3A_211 = arith.muli %scan3A_208, %mul3A_210 : i32
        %get3A_212 = arith.index_cast %scan3A_191 : i32 to index
        %get3A_213 = arith.index_cast %mul3A_211 : i32 to index
        %get3A_214 = tpu.vector_load %arg12[%get3A_212, %get3A_213] {strides = array<i32>} : memref<32x1024xf32, #tpu.memory_space<vmem>>, vector<1x16xf32>,
        %get3A_215 = vector.shape_cast %get3A_214 : vector<1x16xf32> to vector<16xf32>
        %add3A_216 = arith.constant 16 : i32
        %add3A_217 = arith.addi %mul3A_211, %add3A_216 : i32
        %get3A_218 = arith.index_cast %scan3A_191 : i32 to index
        %get3A_219 = arith.index_cast %add3A_217 : i32 to index
        %get3A_220 = tpu.vector_load %arg12[%get3A_218, %get3A_219] {strides = array<i32>} : memref<32x1024xf32, #tpu.memory_space<vmem>>, vector<1x16xf32>,
        %get3A_221 = vector.shape_cast %get3A_220 : vector<1x16xf32> to vector<16xf32>
        %add3A_222 = arith.addf %get3A_215, %get3A_221 : vector<16xf32>
        %add3A_223 = arith.constant 32 : i32
        %add3A_224 = arith.addi %mul3A_211, %add3A_223 : i32
        %get3A_225 = arith.index_cast %scan3A_191 : i32 to index
        %get3A_226 = arith.index_cast %add3A_224 : i32 to index
        %get3A_227 = tpu.vector_load %arg12[%get3A_225, %get3A_226] {strides = array<i32>} : memref<32x1024xf32, #tpu.memory_space<vmem>>, vector<1x16xf32>,
        %get3A_228 = vector.shape_cast %get3A_227 : vector<1x16xf32> to vector<16xf32>
        %add3A_229 = arith.addf %add3A_222, %get3A_228 : vector<16xf32>
        %add3A_230 = arith.constant 48 : i32
        %add3A_231 = arith.addi %mul3A_211, %add3A_230 : i32
        %get3A_232 = arith.index_cast %scan3A_191 : i32 to index
        %get3A_233 = arith.index_cast %add3A_231 : i32 to index
        %get3A_234 = tpu.vector_load %arg12[%get3A_232, %get3A_233] {strides = array<i32>} : memref<32x1024xf32, #tpu.memory_space<vmem>>, vector<1x16xf32>,
        %get3A_235 = vector.shape_cast %get3A_234 : vector<1x16xf32> to vector<16xf32>
        %add3A_236 = arith.addf %add3A_229, %get3A_235 : vector<16xf32>
        %xor3A = arith.constant 8 : i32
        %xor3A_237 = vector.broadcast %xor3A : i32 to vector<16xi32>
        %xor3A_238 = arith.xori %iota3A, %xor3A_237 : vector<16xi32>
        %broadcast_in_dim3A_239 = vector.shape_cast %xor3A_238 : vector<16xi32> to vector<16x1xi32>
        %gather3A = vector.shape_cast %broadcast_in_dim3A_239 : vector<16x1xi32> to vector<16xi32>
        %gather3A_240 = tpu.dynamic_gather %add3A_236[%gather3A] in [0] : vector<16xf32>, vector<16xi32> -> vector<16xf32>
        %add3A_241 = arith.addf %add3A_236, %gather3A_240 : vector<16xf32>
        %xor3A_242 = arith.constant 4 : i32
        %xor3A_243 = vector.broadcast %xor3A_242 : i32 to vector<16xi32>
        %xor3A_244 = arith.xori %iota3A, %xor3A_243 : vector<16xi32>
        %broadcast_in_dim3A_245 = vector.shape_cast %xor3A_244 : vector<16xi32> to vector<16x1xi32>
        %gather3A_246 = vector.shape_cast %broadcast_in_dim3A_245 : vector<16x1xi32> to vector<16xi32>
        %gather3A_247 = tpu.dynamic_gather %add3A_241[%gather3A_246] in [0] : vector<16xf32>, vector<16xi32> -> vector<16xf32>
        %add3A_248 = arith.addf %add3A_241, %gather3A_247 : vector<16xf32>
        %xor3A_249 = arith.constant 2 : i32
        %xor3A_250 = vector.broadcast %xor3A_249 : i32 to vector<16xi32>
        %xor3A_251 = arith.xori %iota3A, %xor3A_250 : vector<16xi32>
        %broadcast_in_dim3A_252 = vector.shape_cast %xor3A_251 : vector<16xi32> to vector<16x1xi32>
        %gather3A_253 = vector.shape_cast %broadcast_in_dim3A_252 : vector<16x1xi32> to vector<16xi32>
        %gather3A_254 = tpu.dynamic_gather %add3A_248[%gather3A_253] in [0] : vector<16xf32>, vector<16xi32> -> vector<16xf32>
        %add3A_255 = arith.addf %add3A_248, %gather3A_254 : vector<16xf32>
        %xor3A_256 = arith.constant 1 : i32
        %xor3A_257 = vector.broadcast %xor3A_256 : i32 to vector<16xi32>
        %xor3A_258 = arith.xori %iota3A, %xor3A_257 : vector<16xi32>
        %broadcast_in_dim3A_259 = vector.shape_cast %xor3A_258 : vector<16xi32> to vector<16x1xi32>
        %gather3A_260 = vector.shape_cast %broadcast_in_dim3A_259 : vector<16x1xi32> to vector<16xi32>
        %gather3A_261 = tpu.dynamic_gather %add3A_255[%gather3A_260] in [0] : vector<16xf32>, vector<16xi32> -> vector<16xf32>
        %add3A_262 = arith.addf %add3A_255, %gather3A_261 : vector<16xf32>
        %broadcast_in_dim3A_263 = vector.broadcast %scan3A_208 : i32 to vector<16xi32>
        %eq3A_264 = arith.cmpi eq, %iota3A, %broadcast_in_dim3A_263 : vector<16xi32>
        %select_n3A_265 = arith.select %eq3A_264, %add3A_262, %scan3A_209 : vector<16xi1>, vector<16xf32>
        scf.yield %select_n3A_265 : vector<16xf32>
      }
      %scan3A_200 = arith.constant 16 : i32
      %swap3A = arith.constant 1 : i32
      %swap3A_201 = arith.index_cast %swap3A : i32 to index
      %swap3A_202 = arith.index_cast %scan3A_191 : i32 to index
      %swap3A_203 = arith.constant 0 : index
      %swap3A_204 = tpu.vector_load %arg13[%swap3A_201, %swap3A_202, %swap3A_203] {strides = array<i32>} : memref<2x32x16xf32, #tpu.memory_space<vmem>>, vector<1x1x16xf32>,
      %swap3A_205 = vector.shape_cast %swap3A_204 : vector<1x1x16xf32> to vector<16xf32>
      %swap3A_206 = vector.shape_cast %scan3A_199 : vector<16xf32> to vector<1x1x16xf32>
      tpu.vector_store %arg13[%swap3A_201, %swap3A_202, %swap3A_203], %swap3A_206 {strides = array<i32>} : memref<2x32x16xf32, #tpu.memory_space<vmem>>, vector<1x1x16xf32>,
      %scan3A_207 = arith.constant 0 : i32
      scf.yield %scan3A_207 : i32
    }
    %scan3A_69 = arith.constant 32 : i32
    "tpu.region"() ({
      %run_scoped3A = tpu.sem_alloc : memref<!tpu.dma_semaphore, #tpu.memory_space<semaphore_mem>>
      %dma_start3A = arith.constant 0 : i32
      %dma_start3A_191 = arith.constant 0 : i32
      %dma_start3A_192 = arith.constant 0 : i32
      %dma_start3A_193 = tpu.memref_slice %arg22[%select_n3A_40, %select_n3A_54, %dma_start3A, %dma_start3A_191, %dma_start3A_192] : memref<8x2x2x32x16xf32, #tpu.memory_space<vmem_shared>> -> memref<1x1x2x32x16xf32, #tpu.memory_space<vmem_shared>>
      %dma_start3A_194 = tpu.memref_squeeze %dma_start3A_193 : memref<1x1x2x32x16xf32, #tpu.memory_space<vmem_shared>> -> memref<2x32x16xf32, #tpu.memory_space<vmem_shared>>
      %dma_start3A_195 = arith.constant 0 : i32
      %dma_start3A_196 = arith.constant 0 : i32
      %dma_start3A_197 = arith.constant 0 : i32
      %dma_start3A_198 = tpu.memref_slice %arg22[%select_n3A_40, %select_n3A_54, %dma_start3A_195, %dma_start3A_196, %dma_start3A_197] : memref<8x2x2x32x16xf32, #tpu.memory_space<vmem_shared>> -> memref<1x1x2x32x16xf32, #tpu.memory_space<vmem_shared>>
      %dma_start3A_199 = tpu.memref_squeeze %dma_start3A_198 : memref<1x1x2x32x16xf32, #tpu.memory_space<vmem_shared>> -> memref<2x32x16xf32, #tpu.memory_space<vmem_shared>>
      tpu.enqueue_dma source(%arg13 : memref<2x32x16xf32, #tpu.memory_space<vmem>>) target(%dma_start3A_199 : memref<2x32x16xf32, #tpu.memory_space<vmem_shared>>) target_semaphore(%run_scoped3A : memref<!tpu.dma_semaphore, #tpu.memory_space<semaphore_mem>>)
      %dma_wait3A = arith.constant 0 : i32
      %dma_wait3A_200 = arith.constant 0 : i32
      %dma_wait3A_201 = arith.constant 0 : i32
      %dma_wait3A_202 = tpu.memref_slice %arg22[%select_n3A_40, %select_n3A_54, %dma_wait3A, %dma_wait3A_200, %dma_wait3A_201] : memref<8x2x2x32x16xf32, #tpu.memory_space<vmem_shared>> -> memref<1x1x2x32x16xf32, #tpu.memory_space<vmem_shared>>
      %dma_wait3A_203 = tpu.memref_squeeze %dma_wait3A_202 : memref<1x1x2x32x16xf32, #tpu.memory_space<vmem_shared>> -> memref<2x32x16xf32, #tpu.memory_space<vmem_shared>>
      %dma_wait3A_204 = arith.constant 0 : i32
      %dma_wait3A_205 = arith.constant 0 : i32
      %dma_wait3A_206 = arith.constant 0 : i32
      %dma_wait3A_207 = tpu.memref_slice %arg22[%select_n3A_40, %select_n3A_54, %dma_wait3A_204, %dma_wait3A_205, %dma_wait3A_206] : memref<8x2x2x32x16xf32, #tpu.memory_space<vmem_shared>> -> memref<1x1x2x32x16xf32, #tpu.memory_space<vmem_shared>>
      %dma_wait3A_208 = tpu.memref_squeeze %dma_wait3A_207 : memref<1x1x2x32x16xf32, #tpu.memory_space<vmem_shared>> -> memref<2x32x16xf32, #tpu.memory_space<vmem_shared>>
      tpu.wait_dma2 semaphore(%run_scoped3A : memref<!tpu.dma_semaphore, #tpu.memory_space<semaphore_mem>>) src(%arg13 : memref<2x32x16xf32, #tpu.memory_space<vmem>>) dst(%dma_wait3A_208 : memref<2x32x16xf32, #tpu.memory_space<vmem_shared>>)
      tpu.yield
    }) : () -> ()
    %barrier3A = arith.constant 0 : index
    tpu.barrier barrier_id(%barrier3A)
    "tpu.region"() ({
      %run_scoped3A = tpu.sem_alloc : memref<!tpu.dma_semaphore, #tpu.memory_space<semaphore_mem>>
      %dma_start3A = arith.constant 0 : i32
      %dma_start3A_191 = arith.constant 0 : i32
      %dma_start3A_192 = arith.constant 0 : i32
      %dma_start3A_193 = arith.constant 0 : i32
      %dma_start3A_194 = tpu.memref_slice %arg22[%select_n3A_40, %dma_start3A, %dma_start3A_191, %dma_start3A_192, %dma_start3A_193] : memref<8x2x2x32x16xf32, #tpu.memory_space<vmem_shared>> -> memref<1x2x2x32x16xf32, #tpu.memory_space<vmem_shared>>
      %dma_start3A_195 = tpu.memref_squeeze %dma_start3A_194 : memref<1x2x2x32x16xf32, #tpu.memory_space<vmem_shared>> -> memref<2x2x32x16xf32, #tpu.memory_space<vmem_shared>>
      %dma_start3A_196 = arith.constant 0 : i32
      %dma_start3A_197 = arith.constant 0 : i32
      %dma_start3A_198 = arith.constant 0 : i32
      %dma_start3A_199 = arith.constant 0 : i32
      %dma_start3A_200 = tpu.memref_slice %arg22[%select_n3A_40, %dma_start3A_196, %dma_start3A_197, %dma_start3A_198, %dma_start3A_199] : memref<8x2x2x32x16xf32, #tpu.memory_space<vmem_shared>> -> memref<1x2x2x32x16xf32, #tpu.memory_space<vmem_shared>>
      %dma_start3A_201 = tpu.memref_squeeze %dma_start3A_200 : memref<1x2x2x32x16xf32, #tpu.memory_space<vmem_shared>> -> memref<2x2x32x16xf32, #tpu.memory_space<vmem_shared>>
      tpu.enqueue_dma source(%dma_start3A_201 : memref<2x2x32x16xf32, #tpu.memory_space<vmem_shared>>) target(%arg14 : memref<2x2x32x16xf32, #tpu.memory_space<vmem>>) target_semaphore(%run_scoped3A : memref<!tpu.dma_semaphore, #tpu.memory_space<semaphore_mem>>)
      %dma_wait3A = arith.constant 0 : i32
      %dma_wait3A_202 = arith.constant 0 : i32
      %dma_wait3A_203 = arith.constant 0 : i32
      %dma_wait3A_204 = arith.constant 0 : i32
      %dma_wait3A_205 = tpu.memref_slice %arg22[%select_n3A_40, %dma_wait3A, %dma_wait3A_202, %dma_wait3A_203, %dma_wait3A_204] : memref<8x2x2x32x16xf32, #tpu.memory_space<vmem_shared>> -> memref<1x2x2x32x16xf32, #tpu.memory_space<vmem_shared>>
      %dma_wait3A_206 = tpu.memref_squeeze %dma_wait3A_205 : memref<1x2x2x32x16xf32, #tpu.memory_space<vmem_shared>> -> memref<2x2x32x16xf32, #tpu.memory_space<vmem_shared>>
      %dma_wait3A_207 = arith.constant 0 : i32
      %dma_wait3A_208 = arith.constant 0 : i32
      %dma_wait3A_209 = arith.constant 0 : i32
      %dma_wait3A_210 = arith.constant 0 : i32
      %dma_wait3A_211 = tpu.memref_slice %arg22[%select_n3A_40, %dma_wait3A_207, %dma_wait3A_208, %dma_wait3A_209, %dma_wait3A_210] : memref<8x2x2x32x16xf32, #tpu.memory_space<vmem_shared>> -> memref<1x2x2x32x16xf32, #tpu.memory_space<vmem_shared>>
      %dma_wait3A_212 = tpu.memref_squeeze %dma_wait3A_211 : memref<1x2x2x32x16xf32, #tpu.memory_space<vmem_shared>> -> memref<2x2x32x16xf32, #tpu.memory_space<vmem_shared>>
      tpu.wait_dma2 semaphore(%run_scoped3A : memref<!tpu.dma_semaphore, #tpu.memory_space<semaphore_mem>>) src(%dma_wait3A_212 : memref<2x2x32x16xf32, #tpu.memory_space<vmem_shared>>) dst(%arg14 : memref<2x2x32x16xf32, #tpu.memory_space<vmem>>)
      tpu.yield
    }) : () -> ()
    %get3A = arith.constant 0 : i32
    %get3A_70 = arith.index_cast %get3A : i32 to index
    %get3A_71 = arith.constant 0 : index
    %get3A_72 = tpu.vector_load %arg21[%get3A_70, %get3A_71] {strides = array<i32>} : memref<3x16xf32, #tpu.memory_space<vmem>>, vector<1x16xf32>,
    %get3A_73 = vector.shape_cast %get3A_72 : vector<1x16xf32> to vector<16xf32>
    %get3A_74 = arith.constant 1 : i32
    %get3A_75 = arith.index_cast %get3A_74 : i32 to index
    %get3A_76 = arith.constant 0 : index
    %get3A_77 = tpu.vector_load %arg21[%get3A_75, %get3A_76] {strides = array<i32>} : memref<3x16xf32, #tpu.memory_space<vmem>>, vector<1x16xf32>,
    %get3A_78 = vector.shape_cast %get3A_77 : vector<1x16xf32> to vector<16xf32>
    %get3A_79 = arith.constant 2 : i32
    %get3A_80 = arith.index_cast %get3A_79 : i32 to index
    %get3A_81 = arith.constant 0 : index
    %get3A_82 = tpu.vector_load %arg21[%get3A_80, %get3A_81] {strides = array<i32>} : memref<3x16xf32, #tpu.memory_space<vmem>>, vector<1x16xf32>,
    %get3A_83 = vector.shape_cast %get3A_82 : vector<1x16xf32> to vector<16xf32>
    %broadcast_in_dim3A = arith.constant 0.000000e+00 : f32
    %broadcast_in_dim3A_84 = vector.broadcast %broadcast_in_dim3A : f32 to vector<16xf32>
    %broadcast_in_dim3A_85 = arith.constant 0.000000e+00 : f32
    %broadcast_in_dim3A_86 = vector.broadcast %broadcast_in_dim3A_85 : f32 to vector<16xf32>
    %broadcast_in_dim3A_87 = arith.constant 0.000000e+00 : f32
    %broadcast_in_dim3A_88 = vector.broadcast %broadcast_in_dim3A_87 : f32 to vector<16xf32>
    %broadcast_in_dim3A_89 = arith.constant 0.000000e+00 : f32
    %broadcast_in_dim3A_90 = vector.broadcast %broadcast_in_dim3A_89 : f32 to vector<16xf32>
    %scan3A_91 = arith.constant 0 : i32
    %scan3A_92 = arith.constant 32 : i32
    %scan3A_93 = arith.addi %scan3A_91, %scan3A_92 : i32
    %scan3A_94 = arith.constant 1 : i32
    %scan3A_95:4 = scf.for %scan3A_191 = %scan3A_91 to %scan3A_93 step %scan3A_94 iter_args(%scan3A_192 = %broadcast_in_dim3A_84, %scan3A_193 = %broadcast_in_dim3A_86, %scan3A_194 = %broadcast_in_dim3A_88, %scan3A_195 = %broadcast_in_dim3A_90) -> (vector<16xf32>, vector<16xf32>, vector<16xf32>, vector<16xf32>)  : i32 {
      %get3A_196 = arith.constant 0 : i32
      %get3A_197 = arith.constant 0 : i32
      %get3A_198 = arith.index_cast %get3A_196 : i32 to index
      %get3A_199 = arith.index_cast %get3A_197 : i32 to index
      %get3A_200 = arith.index_cast %scan3A_191 : i32 to index
      %get3A_201 = arith.constant 0 : index
      %get3A_202 = tpu.vector_load %arg14[%get3A_198, %get3A_199, %get3A_200, %get3A_201] {strides = array<i32>} : memref<2x2x32x16xf32, #tpu.memory_space<vmem>>, vector<1x1x1x16xf32>,
      %get3A_203 = vector.shape_cast %get3A_202 : vector<1x1x1x16xf32> to vector<16xf32>
      %mul3A_204 = arith.constant 1.562500e-02 : f32
      %mul3A_205 = vector.broadcast %mul3A_204 : f32 to vector<16xf32>
      %mul3A_206 = arith.mulf %get3A_203, %mul3A_205 : vector<16xf32>
      %get3A_207 = arith.constant 1 : i32
      %get3A_208 = arith.constant 0 : i32
      %get3A_209 = arith.index_cast %get3A_207 : i32 to index
      %get3A_210 = arith.index_cast %get3A_208 : i32 to index
      %get3A_211 = arith.index_cast %scan3A_191 : i32 to index
      %get3A_212 = arith.constant 0 : index
      %get3A_213 = tpu.vector_load %arg14[%get3A_209, %get3A_210, %get3A_211, %get3A_212] {strides = array<i32>} : memref<2x2x32x16xf32, #tpu.memory_space<vmem>>, vector<1x1x1x16xf32>,
      %get3A_214 = vector.shape_cast %get3A_213 : vector<1x1x1x16xf32> to vector<16xf32>
      %mul3A_215 = arith.constant 1.562500e-02 : f32
      %mul3A_216 = vector.broadcast %mul3A_215 : f32 to vector<16xf32>
      %mul3A_217 = arith.mulf %get3A_214, %mul3A_216 : vector<16xf32>
      %get3A_218 = arith.constant 0 : i32
      %get3A_219 = arith.constant 1 : i32
      %get3A_220 = arith.index_cast %get3A_218 : i32 to index
      %get3A_221 = arith.index_cast %get3A_219 : i32 to index
      %get3A_222 = arith.index_cast %scan3A_191 : i32 to index
      %get3A_223 = arith.constant 0 : index
      %get3A_224 = tpu.vector_load %arg14[%get3A_220, %get3A_221, %get3A_222, %get3A_223] {strides = array<i32>} : memref<2x2x32x16xf32, #tpu.memory_space<vmem>>, vector<1x1x1x16xf32>,
      %get3A_225 = vector.shape_cast %get3A_224 : vector<1x1x1x16xf32> to vector<16xf32>
      %mul3A_226 = arith.constant 1.562500e-02 : f32
      %mul3A_227 = vector.broadcast %mul3A_226 : f32 to vector<16xf32>
      %mul3A_228 = arith.mulf %get3A_225, %mul3A_227 : vector<16xf32>
      %get3A_229 = arith.constant 1 : i32
      %get3A_230 = arith.constant 1 : i32
      %get3A_231 = arith.index_cast %get3A_229 : i32 to index
      %get3A_232 = arith.index_cast %get3A_230 : i32 to index
      %get3A_233 = arith.index_cast %scan3A_191 : i32 to index
      %get3A_234 = arith.constant 0 : index
      %get3A_235 = tpu.vector_load %arg14[%get3A_231, %get3A_232, %get3A_233, %get3A_234] {strides = array<i32>} : memref<2x2x32x16xf32, #tpu.memory_space<vmem>>, vector<1x1x1x16xf32>,
      %get3A_236 = vector.shape_cast %get3A_235 : vector<1x1x1x16xf32> to vector<16xf32>
      %mul3A_237 = arith.constant 1.562500e-02 : f32
      %mul3A_238 = vector.broadcast %mul3A_237 : f32 to vector<16xf32>
      %mul3A_239 = arith.mulf %get3A_236, %mul3A_238 : vector<16xf32>
      %add3A_240 = arith.addf %mul3A_206, %mul3A_228 : vector<16xf32>
      %mul3A_241 = arith.constant 5.000000e-01 : f32
      %mul3A_242 = vector.broadcast %mul3A_241 : f32 to vector<16xf32>
      %mul3A_243 = arith.mulf %add3A_240, %mul3A_242 : vector<16xf32>
      %add3A_244 = arith.addf %mul3A_217, %mul3A_239 : vector<16xf32>
      %mul3A_245 = arith.constant 5.000000e-01 : f32
      %mul3A_246 = vector.broadcast %mul3A_245 : f32 to vector<16xf32>
      %mul3A_247 = arith.mulf %add3A_244, %mul3A_246 : vector<16xf32>
      %mul3A_248 = arith.mulf %get3A_73, %mul3A_206 : vector<16xf32>
      %mul3A_249 = arith.mulf %get3A_78, %mul3A_228 : vector<16xf32>
      %add3A_250 = arith.addf %mul3A_248, %mul3A_249 : vector<16xf32>
      %add3A_251 = arith.addf %add3A_250, %get3A_83 : vector<16xf32>
      %neg3A_252 = arith.constant 0.000000e+00 : f32
      %neg3A_253 = vector.broadcast %neg3A_252 : f32 to vector<16xf32>
      %neg3A_254 = arith.subf %neg3A_253, %add3A_251 : vector<16xf32>
      %exp3A_255 = math.exp %neg3A_254 : vector<16xf32>
      %add3A_256 = arith.constant 1.000000e+00 : f32
      %add3A_257 = vector.broadcast %add3A_256 : f32 to vector<16xf32>
      %add3A_258 = arith.addf %add3A_257, %exp3A_255 : vector<16xf32>
      %div3A_259 = arith.constant 1.000000e+00 : f32
      %div3A_260 = vector.broadcast %div3A_259 : f32 to vector<16xf32>
      %div3A_261 = arith.divf %div3A_260, %add3A_258 : vector<16xf32>
      %swap3A = arith.index_cast %scan3A_191 : i32 to index
      %swap3A_262 = arith.constant 0 : index
      %swap3A_263 = tpu.vector_load %arg15[%swap3A, %swap3A_262] {strides = array<i32>} : memref<32x32xf32, #tpu.memory_space<vmem>>, vector<1x16xf32>,
      %swap3A_264 = vector.shape_cast %swap3A_263 : vector<1x16xf32> to vector<16xf32>
      %swap3A_265 = vector.shape_cast %div3A_261 : vector<16xf32> to vector<1x16xf32>
      tpu.vector_store %arg15[%swap3A, %swap3A_262], %swap3A_265 {strides = array<i32>} : memref<32x32xf32, #tpu.memory_space<vmem>>, vector<1x16xf32>,
      %mul3A_266 = arith.mulf %get3A_73, %mul3A_217 : vector<16xf32>
      %mul3A_267 = arith.mulf %get3A_78, %mul3A_239 : vector<16xf32>
      %add3A_268 = arith.addf %mul3A_266, %mul3A_267 : vector<16xf32>
      %add3A_269 = arith.addf %add3A_268, %get3A_83 : vector<16xf32>
      %neg3A_270 = arith.constant 0.000000e+00 : f32
      %neg3A_271 = vector.broadcast %neg3A_270 : f32 to vector<16xf32>
      %neg3A_272 = arith.subf %neg3A_271, %add3A_269 : vector<16xf32>
      %exp3A_273 = math.exp %neg3A_272 : vector<16xf32>
      %add3A_274 = arith.constant 1.000000e+00 : f32
      %add3A_275 = vector.broadcast %add3A_274 : f32 to vector<16xf32>
      %add3A_276 = arith.addf %add3A_275, %exp3A_273 : vector<16xf32>
      %div3A_277 = arith.constant 1.000000e+00 : f32
      %div3A_278 = vector.broadcast %div3A_277 : f32 to vector<16xf32>
      %div3A_279 = arith.divf %div3A_278, %add3A_276 : vector<16xf32>
      %swap3A_280 = arith.index_cast %scan3A_191 : i32 to index
      %swap3A_281 = arith.constant 16 : index
      %swap3A_282 = tpu.vector_load %arg15[%swap3A_280, %swap3A_281] {strides = array<i32>} : memref<32x32xf32, #tpu.memory_space<vmem>>, vector<1x16xf32>,
      %swap3A_283 = vector.shape_cast %swap3A_282 : vector<1x16xf32> to vector<16xf32>
      %swap3A_284 = vector.shape_cast %div3A_279 : vector<16xf32> to vector<1x16xf32>
      tpu.vector_store %arg15[%swap3A_280, %swap3A_281], %swap3A_284 {strides = array<i32>} : memref<32x32xf32, #tpu.memory_space<vmem>>, vector<1x16xf32>,
      %add3A_285 = arith.addf %mul3A_243, %mul3A_247 : vector<16xf32>
      %xor3A = arith.constant 8 : i32
      %xor3A_286 = vector.broadcast %xor3A : i32 to vector<16xi32>
      %xor3A_287 = arith.xori %iota3A, %xor3A_286 : vector<16xi32>
      %broadcast_in_dim3A_288 = vector.shape_cast %xor3A_287 : vector<16xi32> to vector<16x1xi32>
      %gather3A = vector.shape_cast %broadcast_in_dim3A_288 : vector<16x1xi32> to vector<16xi32>
      %gather3A_289 = tpu.dynamic_gather %add3A_285[%gather3A] in [0] : vector<16xf32>, vector<16xi32> -> vector<16xf32>
      %add3A_290 = arith.addf %add3A_285, %gather3A_289 : vector<16xf32>
      %xor3A_291 = arith.constant 4 : i32
      %xor3A_292 = vector.broadcast %xor3A_291 : i32 to vector<16xi32>
      %xor3A_293 = arith.xori %iota3A, %xor3A_292 : vector<16xi32>
      %broadcast_in_dim3A_294 = vector.shape_cast %xor3A_293 : vector<16xi32> to vector<16x1xi32>
      %gather3A_295 = vector.shape_cast %broadcast_in_dim3A_294 : vector<16x1xi32> to vector<16xi32>
      %gather3A_296 = tpu.dynamic_gather %add3A_290[%gather3A_295] in [0] : vector<16xf32>, vector<16xi32> -> vector<16xf32>
      %add3A_297 = arith.addf %add3A_290, %gather3A_296 : vector<16xf32>
      %xor3A_298 = arith.constant 2 : i32
      %xor3A_299 = vector.broadcast %xor3A_298 : i32 to vector<16xi32>
      %xor3A_300 = arith.xori %iota3A, %xor3A_299 : vector<16xi32>
      %broadcast_in_dim3A_301 = vector.shape_cast %xor3A_300 : vector<16xi32> to vector<16x1xi32>
      %gather3A_302 = vector.shape_cast %broadcast_in_dim3A_301 : vector<16x1xi32> to vector<16xi32>
      %gather3A_303 = tpu.dynamic_gather %add3A_297[%gather3A_302] in [0] : vector<16xf32>, vector<16xi32> -> vector<16xf32>
      %add3A_304 = arith.addf %add3A_297, %gather3A_303 : vector<16xf32>
      %xor3A_305 = arith.constant 1 : i32
      %xor3A_306 = vector.broadcast %xor3A_305 : i32 to vector<16xi32>
      %xor3A_307 = arith.xori %iota3A, %xor3A_306 : vector<16xi32>
      %broadcast_in_dim3A_308 = vector.shape_cast %xor3A_307 : vector<16xi32> to vector<16x1xi32>
      %gather3A_309 = vector.shape_cast %broadcast_in_dim3A_308 : vector<16x1xi32> to vector<16xi32>
      %gather3A_310 = tpu.dynamic_gather %add3A_304[%gather3A_309] in [0] : vector<16xf32>, vector<16xi32> -> vector<16xf32>
      %add3A_311 = arith.addf %add3A_304, %gather3A_310 : vector<16xf32>
      %mul3A_312 = arith.constant 3.125000e-02 : f32
      %mul3A_313 = vector.broadcast %mul3A_312 : f32 to vector<16xf32>
      %mul3A_314 = arith.mulf %add3A_311, %mul3A_313 : vector<16xf32>
      %broadcast_in_dim3A_315 = vector.broadcast %scan3A_191 : i32 to vector<16xi32>
      %eq3A_316 = arith.cmpi eq, %iota3A, %broadcast_in_dim3A_315 : vector<16xi32>
      %select_n3A_317 = arith.select %eq3A_316, %mul3A_314, %scan3A_194 : vector<16xi1>, vector<16xf32>
      %sub3A_318 = arith.constant 16 : i32
      %sub3A_319 = vector.broadcast %sub3A_318 : i32 to vector<16xi32>
      %sub3A_320 = arith.subi %broadcast_in_dim3A_315, %sub3A_319 : vector<16xi32>
      %eq3A_321 = arith.cmpi eq, %iota3A, %sub3A_320 : vector<16xi32>
      %select_n3A_322 = arith.select %eq3A_321, %mul3A_314, %scan3A_195 : vector<16xi1>, vector<16xf32>
      %add3A_323 = arith.addf %scan3A_192, %mul3A_243 : vector<16xf32>
      %add3A_324 = arith.addf %scan3A_193, %mul3A_247 : vector<16xf32>
      scf.yield %add3A_323, %add3A_324, %select_n3A_317, %select_n3A_322 : vector<16xf32>, vector<16xf32>, vector<16xf32>, vector<16xf32>
    }
    %scan3A_96 = arith.constant 32 : i32
    %mul3A_97 = arith.constant 3.125000e-02 : f32
    %mul3A_98 = vector.broadcast %mul3A_97 : f32 to vector<16xf32>
    %mul3A_99 = arith.mulf %scan3A_95#0, %mul3A_98 : vector<16xf32>
    %mul3A_100 = arith.constant 3.125000e-02 : f32
    %mul3A_101 = vector.broadcast %mul3A_100 : f32 to vector<16xf32>
    %mul3A_102 = arith.mulf %scan3A_95#1, %mul3A_101 : vector<16xf32>
    %broadcast_in_dim3A_103 = arith.constant 0.000000e+00 : f32
    %broadcast_in_dim3A_104 = vector.broadcast %broadcast_in_dim3A_103 : f32 to vector<16xf32>
    %broadcast_in_dim3A_105 = arith.constant 0.000000e+00 : f32
    %broadcast_in_dim3A_106 = vector.broadcast %broadcast_in_dim3A_105 : f32 to vector<16xf32>
    %scan3A_107 = arith.constant 0 : i32
    %scan3A_108 = arith.constant 32 : i32
    %scan3A_109 = arith.addi %scan3A_107, %scan3A_108 : i32
    %scan3A_110 = arith.constant 1 : i32
    %scan3A_111:2 = scf.for %scan3A_191 = %scan3A_107 to %scan3A_109 step %scan3A_110 iter_args(%scan3A_192 = %broadcast_in_dim3A_104, %scan3A_193 = %broadcast_in_dim3A_106) -> (vector<16xf32>, vector<16xf32>)  : i32 {
      %broadcast_in_dim3A_194 = vector.broadcast %scan3A_191 : i32 to vector<16xi32>
      %and3A_195 = arith.constant 15 : i32
      %and3A_196 = vector.broadcast %and3A_195 : i32 to vector<16xi32>
      %and3A_197 = arith.andi %broadcast_in_dim3A_194, %and3A_196 : vector<16xi32>
      %lt3A_198 = arith.constant 16 : i32
      %lt3A_199 = vector.broadcast %lt3A_198 : i32 to vector<16xi32>
      %lt3A_200 = arith.cmpi slt, %broadcast_in_dim3A_194, %lt3A_199 : vector<16xi32>
      %broadcast_in_dim3A_201 = vector.shape_cast %and3A_197 : vector<16xi32> to vector<16x1xi32>
      %gather3A = vector.shape_cast %broadcast_in_dim3A_201 : vector<16x1xi32> to vector<16xi32>
      %gather3A_202 = tpu.dynamic_gather %mul3A_99[%gather3A] in [0] : vector<16xf32>, vector<16xi32> -> vector<16xf32>
      %broadcast_in_dim3A_203 = vector.shape_cast %and3A_197 : vector<16xi32> to vector<16x1xi32>
      %gather3A_204 = vector.shape_cast %broadcast_in_dim3A_203 : vector<16x1xi32> to vector<16xi32>
      %gather3A_205 = tpu.dynamic_gather %mul3A_102[%gather3A_204] in [0] : vector<16xf32>, vector<16xi32> -> vector<16xf32>
      %select_n3A_206 = arith.select %lt3A_200, %gather3A_202, %gather3A_205 : vector<16xi1>, vector<16xf32>
      %get3A_207 = arith.index_cast %scan3A_191 : i32 to index
      %get3A_208 = arith.constant 0 : index
      %get3A_209 = tpu.vector_load %arg17[%get3A_207, %get3A_208] {strides = array<i32>} : memref<32x32xf32, #tpu.memory_space<vmem>>, vector<1x16xf32>,
      %get3A_210 = vector.shape_cast %get3A_209 : vector<1x16xf32> to vector<16xf32>
      %mul3A_211 = arith.mulf %get3A_210, %select_n3A_206 : vector<16xf32>
      %add3A_212 = arith.addf %scan3A_192, %mul3A_211 : vector<16xf32>
      %get3A_213 = arith.index_cast %scan3A_191 : i32 to index
      %get3A_214 = arith.constant 16 : index
      %get3A_215 = tpu.vector_load %arg17[%get3A_213, %get3A_214] {strides = array<i32>} : memref<32x32xf32, #tpu.memory_space<vmem>>, vector<1x16xf32>,
      %get3A_216 = vector.shape_cast %get3A_215 : vector<1x16xf32> to vector<16xf32>
      %mul3A_217 = arith.mulf %get3A_216, %select_n3A_206 : vector<16xf32>
      %add3A_218 = arith.addf %scan3A_193, %mul3A_217 : vector<16xf32>
      scf.yield %add3A_212, %add3A_218 : vector<16xf32>, vector<16xf32>
    }
    %scan3A_112 = arith.constant 32 : i32
    %get3A_113 = arith.constant 0 : index
    %get3A_114 = tpu.vector_load %arg19[%get3A_113] {strides = array<i32>} : memref<32xf32, #tpu.memory_space<vmem>>, vector<16xf32>,
    %get3A_115 = vector.shape_cast %get3A_114 : vector<16xf32> to vector<16xf32>
    %add3A_116 = arith.addf %scan3A_111#0, %get3A_115 : vector<16xf32>
    %neg3A = arith.constant 0.000000e+00 : f32
    %neg3A_117 = vector.broadcast %neg3A : f32 to vector<16xf32>
    %neg3A_118 = arith.subf %neg3A_117, %add3A_116 : vector<16xf32>
    %exp3A = math.exp %neg3A_118 : vector<16xf32>
    %add3A_119 = arith.constant 1.000000e+00 : f32
    %add3A_120 = vector.broadcast %add3A_119 : f32 to vector<16xf32>
    %add3A_121 = arith.addf %add3A_120, %exp3A : vector<16xf32>
    %div3A_122 = arith.constant 1.000000e+00 : f32
    %div3A_123 = vector.broadcast %div3A_122 : f32 to vector<16xf32>
    %div3A_124 = arith.divf %div3A_123, %add3A_121 : vector<16xf32>
    %get3A_125 = arith.constant 16 : index
    %get3A_126 = tpu.vector_load %arg19[%get3A_125] {strides = array<i32>} : memref<32xf32, #tpu.memory_space<vmem>>, vector<16xf32>,
    %get3A_127 = vector.shape_cast %get3A_126 : vector<16xf32> to vector<16xf32>
    %add3A_128 = arith.addf %scan3A_111#1, %get3A_127 : vector<16xf32>
    %neg3A_129 = arith.constant 0.000000e+00 : f32
    %neg3A_130 = vector.broadcast %neg3A_129 : f32 to vector<16xf32>
    %neg3A_131 = arith.subf %neg3A_130, %add3A_128 : vector<16xf32>
    %exp3A_132 = math.exp %neg3A_131 : vector<16xf32>
    %add3A_133 = arith.constant 1.000000e+00 : f32
    %add3A_134 = vector.broadcast %add3A_133 : f32 to vector<16xf32>
    %add3A_135 = arith.addf %add3A_134, %exp3A_132 : vector<16xf32>
    %div3A_136 = arith.constant 1.000000e+00 : f32
    %div3A_137 = vector.broadcast %div3A_136 : f32 to vector<16xf32>
    %div3A_138 = arith.divf %div3A_137, %add3A_135 : vector<16xf32>
    %broadcast_in_dim3A_139 = arith.constant 0.000000e+00 : f32
    %broadcast_in_dim3A_140 = vector.broadcast %broadcast_in_dim3A_139 : f32 to vector<16xf32>
    %broadcast_in_dim3A_141 = arith.constant 0.000000e+00 : f32
    %broadcast_in_dim3A_142 = vector.broadcast %broadcast_in_dim3A_141 : f32 to vector<16xf32>
    %scan3A_143 = arith.constant 0 : i32
    %scan3A_144 = arith.constant 32 : i32
    %scan3A_145 = arith.addi %scan3A_143, %scan3A_144 : i32
    %scan3A_146 = arith.constant 1 : i32
    %scan3A_147:2 = scf.for %scan3A_191 = %scan3A_143 to %scan3A_145 step %scan3A_146 iter_args(%scan3A_192 = %broadcast_in_dim3A_140, %scan3A_193 = %broadcast_in_dim3A_142) -> (vector<16xf32>, vector<16xf32>)  : i32 {
      %broadcast_in_dim3A_194 = vector.broadcast %scan3A_191 : i32 to vector<16xi32>
      %and3A_195 = arith.constant 15 : i32
      %and3A_196 = vector.broadcast %and3A_195 : i32 to vector<16xi32>
      %and3A_197 = arith.andi %broadcast_in_dim3A_194, %and3A_196 : vector<16xi32>
      %lt3A_198 = arith.constant 16 : i32
      %lt3A_199 = vector.broadcast %lt3A_198 : i32 to vector<16xi32>
      %lt3A_200 = arith.cmpi slt, %broadcast_in_dim3A_194, %lt3A_199 : vector<16xi32>
      %broadcast_in_dim3A_201 = vector.shape_cast %and3A_197 : vector<16xi32> to vector<16x1xi32>
      %gather3A = vector.shape_cast %broadcast_in_dim3A_201 : vector<16x1xi32> to vector<16xi32>
      %gather3A_202 = tpu.dynamic_gather %scan3A_95#2[%gather3A] in [0] : vector<16xf32>, vector<16xi32> -> vector<16xf32>
      %broadcast_in_dim3A_203 = vector.shape_cast %and3A_197 : vector<16xi32> to vector<16x1xi32>
      %gather3A_204 = vector.shape_cast %broadcast_in_dim3A_203 : vector<16x1xi32> to vector<16xi32>
      %gather3A_205 = tpu.dynamic_gather %scan3A_95#3[%gather3A_204] in [0] : vector<16xf32>, vector<16xi32> -> vector<16xf32>
      %select_n3A_206 = arith.select %lt3A_200, %gather3A_202, %gather3A_205 : vector<16xi1>, vector<16xf32>
      %get3A_207 = arith.index_cast %scan3A_191 : i32 to index
      %get3A_208 = arith.constant 0 : index
      %get3A_209 = tpu.vector_load %arg18[%get3A_207, %get3A_208] {strides = array<i32>} : memref<32x32xf32, #tpu.memory_space<vmem>>, vector<1x16xf32>,
      %get3A_210 = vector.shape_cast %get3A_209 : vector<1x16xf32> to vector<16xf32>
      %mul3A_211 = arith.mulf %get3A_210, %select_n3A_206 : vector<16xf32>
      %add3A_212 = arith.addf %scan3A_192, %mul3A_211 : vector<16xf32>
      %get3A_213 = arith.index_cast %scan3A_191 : i32 to index
      %get3A_214 = arith.constant 16 : index
      %get3A_215 = tpu.vector_load %arg18[%get3A_213, %get3A_214] {strides = array<i32>} : memref<32x32xf32, #tpu.memory_space<vmem>>, vector<1x16xf32>,
      %get3A_216 = vector.shape_cast %get3A_215 : vector<1x16xf32> to vector<16xf32>
      %mul3A_217 = arith.mulf %get3A_216, %select_n3A_206 : vector<16xf32>
      %add3A_218 = arith.addf %scan3A_193, %mul3A_217 : vector<16xf32>
      scf.yield %add3A_212, %add3A_218 : vector<16xf32>, vector<16xf32>
    }
    %scan3A_148 = arith.constant 32 : i32
    %get3A_149 = arith.constant 0 : index
    %get3A_150 = tpu.vector_load %arg20[%get3A_149] {strides = array<i32>} : memref<32xf32, #tpu.memory_space<vmem>>, vector<16xf32>,
    %get3A_151 = vector.shape_cast %get3A_150 : vector<16xf32> to vector<16xf32>
    %add3A_152 = arith.addf %scan3A_147#0, %get3A_151 : vector<16xf32>
    %neg3A_153 = arith.constant 0.000000e+00 : f32
    %neg3A_154 = vector.broadcast %neg3A_153 : f32 to vector<16xf32>
    %neg3A_155 = arith.subf %neg3A_154, %add3A_152 : vector<16xf32>
    %exp3A_156 = math.exp %neg3A_155 : vector<16xf32>
    %add3A_157 = arith.constant 1.000000e+00 : f32
    %add3A_158 = vector.broadcast %add3A_157 : f32 to vector<16xf32>
    %add3A_159 = arith.addf %add3A_158, %exp3A_156 : vector<16xf32>
    %div3A_160 = arith.constant 1.000000e+00 : f32
    %div3A_161 = vector.broadcast %div3A_160 : f32 to vector<16xf32>
    %div3A_162 = arith.divf %div3A_161, %add3A_159 : vector<16xf32>
    %get3A_163 = arith.constant 16 : index
    %get3A_164 = tpu.vector_load %arg20[%get3A_163] {strides = array<i32>} : memref<32xf32, #tpu.memory_space<vmem>>, vector<16xf32>,
    %get3A_165 = vector.shape_cast %get3A_164 : vector<16xf32> to vector<16xf32>
    %add3A_166 = arith.addf %scan3A_147#1, %get3A_165 : vector<16xf32>
    %neg3A_167 = arith.constant 0.000000e+00 : f32
    %neg3A_168 = vector.broadcast %neg3A_167 : f32 to vector<16xf32>
    %neg3A_169 = arith.subf %neg3A_168, %add3A_166 : vector<16xf32>
    %exp3A_170 = math.exp %neg3A_169 : vector<16xf32>
    %add3A_171 = arith.constant 1.000000e+00 : f32
    %add3A_172 = vector.broadcast %add3A_171 : f32 to vector<16xf32>
    %add3A_173 = arith.addf %add3A_172, %exp3A_170 : vector<16xf32>
    %div3A_174 = arith.constant 1.000000e+00 : f32
    %div3A_175 = vector.broadcast %div3A_174 : f32 to vector<16xf32>
    %div3A_176 = arith.divf %div3A_175, %add3A_173 : vector<16xf32>
    %scan3A_177 = arith.constant 0 : i32
    %scan3A_178 = arith.constant 0 : i32
    %scan3A_179 = arith.constant 32 : i32
    %scan3A_180 = arith.addi %scan3A_178, %scan3A_179 : i32
    %scan3A_181 = arith.constant 1 : i32
    %scan3A_182 = scf.for %scan3A_191 = %scan3A_178 to %scan3A_180 step %scan3A_181 iter_args(%scan3A_192 = %scan3A_177) -> (i32)  : i32 {
      %broadcast_in_dim3A_193 = vector.broadcast %scan3A_191 : i32 to vector<16xi32>
      %and3A_194 = arith.constant 15 : i32
      %and3A_195 = vector.broadcast %and3A_194 : i32 to vector<16xi32>
      %and3A_196 = arith.andi %broadcast_in_dim3A_193, %and3A_195 : vector<16xi32>
      %lt3A_197 = arith.constant 16 : i32
      %lt3A_198 = vector.broadcast %lt3A_197 : i32 to vector<16xi32>
      %lt3A_199 = arith.cmpi slt, %broadcast_in_dim3A_193, %lt3A_198 : vector<16xi32>
      %broadcast_in_dim3A_200 = vector.shape_cast %and3A_196 : vector<16xi32> to vector<16x1xi32>
      %gather3A = vector.shape_cast %broadcast_in_dim3A_200 : vector<16x1xi32> to vector<16xi32>
      %gather3A_201 = tpu.dynamic_gather %div3A_162[%gather3A] in [0] : vector<16xf32>, vector<16xi32> -> vector<16xf32>
      %broadcast_in_dim3A_202 = vector.shape_cast %and3A_196 : vector<16xi32> to vector<16x1xi32>
      %gather3A_203 = vector.shape_cast %broadcast_in_dim3A_202 : vector<16x1xi32> to vector<16xi32>
      %gather3A_204 = tpu.dynamic_gather %div3A_176[%gather3A_203] in [0] : vector<16xf32>, vector<16xi32> -> vector<16xf32>
      %select_n3A_205 = arith.select %lt3A_199, %gather3A_201, %gather3A_204 : vector<16xi1>, vector<16xf32>
      %add3A_206 = arith.addf %div3A_124, %select_n3A_205 : vector<16xf32>
      %get3A_207 = arith.index_cast %scan3A_191 : i32 to index
      %get3A_208 = arith.constant 0 : index
      %get3A_209 = tpu.vector_load %arg15[%get3A_207, %get3A_208] {strides = array<i32>} : memref<32x32xf32, #tpu.memory_space<vmem>>, vector<1x16xf32>,
      %get3A_210 = vector.shape_cast %get3A_209 : vector<1x16xf32> to vector<16xf32>
      %add3A_211 = arith.addf %add3A_206, %get3A_210 : vector<16xf32>
      %mul3A_212 = arith.constant 0.333333343 : f32
      %mul3A_213 = vector.broadcast %mul3A_212 : f32 to vector<16xf32>
      %mul3A_214 = arith.mulf %add3A_211, %mul3A_213 : vector<16xf32>
      %swap3A = arith.index_cast %scan3A_191 : i32 to index
      %swap3A_215 = arith.constant 0 : index
      %swap3A_216 = tpu.vector_load %arg16[%swap3A, %swap3A_215] {strides = array<i32>} : memref<32x32xf32, #tpu.memory_space<vmem>>, vector<1x16xf32>,
      %swap3A_217 = vector.shape_cast %swap3A_216 : vector<1x16xf32> to vector<16xf32>
      %swap3A_218 = vector.shape_cast %mul3A_214 : vector<16xf32> to vector<1x16xf32>
      tpu.vector_store %arg16[%swap3A, %swap3A_215], %swap3A_218 {strides = array<i32>} : memref<32x32xf32, #tpu.memory_space<vmem>>, vector<1x16xf32>,
      %add3A_219 = arith.addf %div3A_138, %select_n3A_205 : vector<16xf32>
      %get3A_220 = arith.index_cast %scan3A_191 : i32 to index
      %get3A_221 = arith.constant 16 : index
      %get3A_222 = tpu.vector_load %arg15[%get3A_220, %get3A_221] {strides = array<i32>} : memref<32x32xf32, #tpu.memory_space<vmem>>, vector<1x16xf32>,
      %get3A_223 = vector.shape_cast %get3A_222 : vector<1x16xf32> to vector<16xf32>
      %add3A_224 = arith.addf %add3A_219, %get3A_223 : vector<16xf32>
      %mul3A_225 = arith.constant 0.333333343 : f32
      %mul3A_226 = vector.broadcast %mul3A_225 : f32 to vector<16xf32>
      %mul3A_227 = arith.mulf %add3A_224, %mul3A_226 : vector<16xf32>
      %swap3A_228 = arith.index_cast %scan3A_191 : i32 to index
      %swap3A_229 = arith.constant 16 : index
      %swap3A_230 = tpu.vector_load %arg16[%swap3A_228, %swap3A_229] {strides = array<i32>} : memref<32x32xf32, #tpu.memory_space<vmem>>, vector<1x16xf32>,
      %swap3A_231 = vector.shape_cast %swap3A_230 : vector<1x16xf32> to vector<16xf32>
      %swap3A_232 = vector.shape_cast %mul3A_227 : vector<16xf32> to vector<1x16xf32>
      tpu.vector_store %arg16[%swap3A_228, %swap3A_229], %swap3A_232 {strides = array<i32>} : memref<32x32xf32, #tpu.memory_space<vmem>>, vector<1x16xf32>,
      %scan3A_233 = arith.constant 0 : i32
      scf.yield %scan3A_233 : i32
    }
    %scan3A_183 = arith.constant 32 : i32
    %scan3A_184 = arith.constant 0 : i32
    %scan3A_185 = arith.constant 0 : i32
    %scan3A_186 = arith.constant 32 : i32
    %scan3A_187 = arith.addi %scan3A_185, %scan3A_186 : i32
    %scan3A_188 = arith.constant 1 : i32
    %scan3A_189 = scf.for %scan3A_191 = %scan3A_185 to %scan3A_187 step %scan3A_188 iter_args(%scan3A_192 = %scan3A_184) -> (i32)  : i32 {
      %get3A_193 = arith.index_cast %scan3A_191 : i32 to index
      %get3A_194 = arith.constant 0 : index
      %get3A_195 = tpu.vector_load %arg16[%get3A_193, %get3A_194] {strides = array<i32>} : memref<32x32xf32, #tpu.memory_space<vmem>>, vector<1x16xf32>,
      %get3A_196 = vector.shape_cast %get3A_195 : vector<1x16xf32> to vector<16xf32>
      %get3A_197 = arith.index_cast %scan3A_191 : i32 to index
      %get3A_198 = arith.constant 16 : index
      %get3A_199 = tpu.vector_load %arg16[%get3A_197, %get3A_198] {strides = array<i32>} : memref<32x32xf32, #tpu.memory_space<vmem>>, vector<1x16xf32>,
      %get3A_200 = vector.shape_cast %get3A_199 : vector<1x16xf32> to vector<16xf32>
      %scan3A_201 = arith.constant 0 : i32
      %scan3A_202 = arith.constant 0 : i32
      %scan3A_203 = arith.constant 16 : i32
      %scan3A_204 = arith.addi %scan3A_202, %scan3A_203 : i32
      %scan3A_205 = arith.constant 1 : i32
      %scan3A_206 = scf.for %scan3A_209 = %scan3A_202 to %scan3A_204 step %scan3A_205 iter_args(%scan3A_210 = %scan3A_201) -> (i32)  : i32 {
        %mul3A_211 = arith.constant 16 : i32
        %mul3A_212 = arith.muli %mul3A_211, %select_n3A_54 : i32
        %add3A_213 = arith.addi %mul3A_212, %scan3A_209 : i32
        %broadcast_in_dim3A_214 = vector.broadcast %add3A_213 : i32 to vector<16xi32>
        %and3A_215 = arith.constant 15 : i32
        %and3A_216 = vector.broadcast %and3A_215 : i32 to vector<16xi32>
        %and3A_217 = arith.andi %broadcast_in_dim3A_214, %and3A_216 : vector<16xi32>
        %lt3A_218 = arith.constant 16 : i32
        %lt3A_219 = vector.broadcast %lt3A_218 : i32 to vector<16xi32>
        %lt3A_220 = arith.cmpi slt, %broadcast_in_dim3A_214, %lt3A_219 : vector<16xi32>
        %broadcast_in_dim3A_221 = vector.shape_cast %and3A_217 : vector<16xi32> to vector<16x1xi32>
        %gather3A = vector.shape_cast %broadcast_in_dim3A_221 : vector<16x1xi32> to vector<16xi32>
        %gather3A_222 = tpu.dynamic_gather %get3A_196[%gather3A] in [0] : vector<16xf32>, vector<16xi32> -> vector<16xf32>
        %broadcast_in_dim3A_223 = vector.shape_cast %and3A_217 : vector<16xi32> to vector<16x1xi32>
        %gather3A_224 = vector.shape_cast %broadcast_in_dim3A_223 : vector<16x1xi32> to vector<16xi32>
        %gather3A_225 = tpu.dynamic_gather %get3A_200[%gather3A_224] in [0] : vector<16xf32>, vector<16xi32> -> vector<16xf32>
        %select_n3A_226 = arith.select %lt3A_220, %gather3A_222, %gather3A_225 : vector<16xi1>, vector<16xf32>
        %mul3A_227 = arith.constant 64 : i32
        %mul3A_228 = arith.muli %scan3A_209, %mul3A_227 : i32
        %add3A_229 = arith.constant 0 : i32
        %add3A_230 = arith.addi %mul3A_228, %add3A_229 : i32
        %get3A_231 = arith.index_cast %scan3A_191 : i32 to index
        %get3A_232 = arith.index_cast %add3A_230 : i32 to index
        %get3A_233 = tpu.vector_load %arg11[%get3A_231, %get3A_232] {strides = array<i32>} : memref<32x1024xf32, #tpu.memory_space<vmem>>, vector<1x16xf32>,
        %get3A_234 = vector.shape_cast %get3A_233 : vector<1x16xf32> to vector<16xf32>
        %mul3A_235 = arith.mulf %get3A_234, %select_n3A_226 : vector<16xf32>
        %swap3A = arith.index_cast %scan3A_191 : i32 to index
        %swap3A_236 = arith.index_cast %add3A_230 : i32 to index
        %swap3A_237 = tpu.vector_load %arg11[%swap3A, %swap3A_236] {strides = array<i32>} : memref<32x1024xf32, #tpu.memory_space<vmem>>, vector<1x16xf32>,
        %swap3A_238 = vector.shape_cast %swap3A_237 : vector<1x16xf32> to vector<16xf32>
        %swap3A_239 = vector.shape_cast %mul3A_235 : vector<16xf32> to vector<1x16xf32>
        tpu.vector_store %arg11[%swap3A, %swap3A_236], %swap3A_239 {strides = array<i32>} : memref<32x1024xf32, #tpu.memory_space<vmem>>, vector<1x16xf32>,
        %get3A_240 = arith.index_cast %scan3A_191 : i32 to index
        %get3A_241 = arith.index_cast %add3A_230 : i32 to index
        %get3A_242 = tpu.vector_load %arg12[%get3A_240, %get3A_241] {strides = array<i32>} : memref<32x1024xf32, #tpu.memory_space<vmem>>, vector<1x16xf32>,
        %get3A_243 = vector.shape_cast %get3A_242 : vector<1x16xf32> to vector<16xf32>
        %mul3A_244 = arith.mulf %get3A_243, %select_n3A_226 : vector<16xf32>
        %swap3A_245 = arith.index_cast %scan3A_191 : i32 to index
        %swap3A_246 = arith.index_cast %add3A_230 : i32 to index
        %swap3A_247 = tpu.vector_load %arg12[%swap3A_245, %swap3A_246] {strides = array<i32>} : memref<32x1024xf32, #tpu.memory_space<vmem>>, vector<1x16xf32>,
        %swap3A_248 = vector.shape_cast %swap3A_247 : vector<1x16xf32> to vector<16xf32>
        %swap3A_249 = vector.shape_cast %mul3A_244 : vector<16xf32> to vector<1x16xf32>
        tpu.vector_store %arg12[%swap3A_245, %swap3A_246], %swap3A_249 {strides = array<i32>} : memref<32x1024xf32, #tpu.memory_space<vmem>>, vector<1x16xf32>,
        %add3A_250 = arith.constant 16 : i32
        %add3A_251 = arith.addi %mul3A_228, %add3A_250 : i32
        %get3A_252 = arith.index_cast %scan3A_191 : i32 to index
        %get3A_253 = arith.index_cast %add3A_251 : i32 to index
        %get3A_254 = tpu.vector_load %arg11[%get3A_252, %get3A_253] {strides = array<i32>} : memref<32x1024xf32, #tpu.memory_space<vmem>>, vector<1x16xf32>,
        %get3A_255 = vector.shape_cast %get3A_254 : vector<1x16xf32> to vector<16xf32>
        %mul3A_256 = arith.mulf %get3A_255, %select_n3A_226 : vector<16xf32>
        %swap3A_257 = arith.index_cast %scan3A_191 : i32 to index
        %swap3A_258 = arith.index_cast %add3A_251 : i32 to index
        %swap3A_259 = tpu.vector_load %arg11[%swap3A_257, %swap3A_258] {strides = array<i32>} : memref<32x1024xf32, #tpu.memory_space<vmem>>, vector<1x16xf32>,
        %swap3A_260 = vector.shape_cast %swap3A_259 : vector<1x16xf32> to vector<16xf32>
        %swap3A_261 = vector.shape_cast %mul3A_256 : vector<16xf32> to vector<1x16xf32>
        tpu.vector_store %arg11[%swap3A_257, %swap3A_258], %swap3A_261 {strides = array<i32>} : memref<32x1024xf32, #tpu.memory_space<vmem>>, vector<1x16xf32>,
        %get3A_262 = arith.index_cast %scan3A_191 : i32 to index
        %get3A_263 = arith.index_cast %add3A_251 : i32 to index
        %get3A_264 = tpu.vector_load %arg12[%get3A_262, %get3A_263] {strides = array<i32>} : memref<32x1024xf32, #tpu.memory_space<vmem>>, vector<1x16xf32>,
        %get3A_265 = vector.shape_cast %get3A_264 : vector<1x16xf32> to vector<16xf32>
        %mul3A_266 = arith.mulf %get3A_265, %select_n3A_226 : vector<16xf32>
        %swap3A_267 = arith.index_cast %scan3A_191 : i32 to index
        %swap3A_268 = arith.index_cast %add3A_251 : i32 to index
        %swap3A_269 = tpu.vector_load %arg12[%swap3A_267, %swap3A_268] {strides = array<i32>} : memref<32x1024xf32, #tpu.memory_space<vmem>>, vector<1x16xf32>,
        %swap3A_270 = vector.shape_cast %swap3A_269 : vector<1x16xf32> to vector<16xf32>
        %swap3A_271 = vector.shape_cast %mul3A_266 : vector<16xf32> to vector<1x16xf32>
        tpu.vector_store %arg12[%swap3A_267, %swap3A_268], %swap3A_271 {strides = array<i32>} : memref<32x1024xf32, #tpu.memory_space<vmem>>, vector<1x16xf32>,
        %add3A_272 = arith.constant 32 : i32
        %add3A_273 = arith.addi %mul3A_228, %add3A_272 : i32
        %get3A_274 = arith.index_cast %scan3A_191 : i32 to index
        %get3A_275 = arith.index_cast %add3A_273 : i32 to index
        %get3A_276 = tpu.vector_load %arg11[%get3A_274, %get3A_275] {strides = array<i32>} : memref<32x1024xf32, #tpu.memory_space<vmem>>, vector<1x16xf32>,
        %get3A_277 = vector.shape_cast %get3A_276 : vector<1x16xf32> to vector<16xf32>
        %mul3A_278 = arith.mulf %get3A_277, %select_n3A_226 : vector<16xf32>
        %swap3A_279 = arith.index_cast %scan3A_191 : i32 to index
        %swap3A_280 = arith.index_cast %add3A_273 : i32 to index
        %swap3A_281 = tpu.vector_load %arg11[%swap3A_279, %swap3A_280] {strides = array<i32>} : memref<32x1024xf32, #tpu.memory_space<vmem>>, vector<1x16xf32>,
        %swap3A_282 = vector.shape_cast %swap3A_281 : vector<1x16xf32> to vector<16xf32>
        %swap3A_283 = vector.shape_cast %mul3A_278 : vector<16xf32> to vector<1x16xf32>
        tpu.vector_store %arg11[%swap3A_279, %swap3A_280], %swap3A_283 {strides = array<i32>} : memref<32x1024xf32, #tpu.memory_space<vmem>>, vector<1x16xf32>,
        %get3A_284 = arith.index_cast %scan3A_191 : i32 to index
        %get3A_285 = arith.index_cast %add3A_273 : i32 to index
        %get3A_286 = tpu.vector_load %arg12[%get3A_284, %get3A_285] {strides = array<i32>} : memref<32x1024xf32, #tpu.memory_space<vmem>>, vector<1x16xf32>,
        %get3A_287 = vector.shape_cast %get3A_286 : vector<1x16xf32> to vector<16xf32>
        %mul3A_288 = arith.mulf %get3A_287, %select_n3A_226 : vector<16xf32>
        %swap3A_289 = arith.index_cast %scan3A_191 : i32 to index
        %swap3A_290 = arith.index_cast %add3A_273 : i32 to index
        %swap3A_291 = tpu.vector_load %arg12[%swap3A_289, %swap3A_290] {strides = array<i32>} : memref<32x1024xf32, #tpu.memory_space<vmem>>, vector<1x16xf32>,
        %swap3A_292 = vector.shape_cast %swap3A_291 : vector<1x16xf32> to vector<16xf32>
        %swap3A_293 = vector.shape_cast %mul3A_288 : vector<16xf32> to vector<1x16xf32>
        tpu.vector_store %arg12[%swap3A_289, %swap3A_290], %swap3A_293 {strides = array<i32>} : memref<32x1024xf32, #tpu.memory_space<vmem>>, vector<1x16xf32>,
        %add3A_294 = arith.constant 48 : i32
        %add3A_295 = arith.addi %mul3A_228, %add3A_294 : i32
        %get3A_296 = arith.index_cast %scan3A_191 : i32 to index
        %get3A_297 = arith.index_cast %add3A_295 : i32 to index
        %get3A_298 = tpu.vector_load %arg11[%get3A_296, %get3A_297] {strides = array<i32>} : memref<32x1024xf32, #tpu.memory_space<vmem>>, vector<1x16xf32>,
        %get3A_299 = vector.shape_cast %get3A_298 : vector<1x16xf32> to vector<16xf32>
        %mul3A_300 = arith.mulf %get3A_299, %select_n3A_226 : vector<16xf32>
        %swap3A_301 = arith.index_cast %scan3A_191 : i32 to index
        %swap3A_302 = arith.index_cast %add3A_295 : i32 to index
        %swap3A_303 = tpu.vector_load %arg11[%swap3A_301, %swap3A_302] {strides = array<i32>} : memref<32x1024xf32, #tpu.memory_space<vmem>>, vector<1x16xf32>,
        %swap3A_304 = vector.shape_cast %swap3A_303 : vector<1x16xf32> to vector<16xf32>
        %swap3A_305 = vector.shape_cast %mul3A_300 : vector<16xf32> to vector<1x16xf32>
        tpu.vector_store %arg11[%swap3A_301, %swap3A_302], %swap3A_305 {strides = array<i32>} : memref<32x1024xf32, #tpu.memory_space<vmem>>, vector<1x16xf32>,
        %get3A_306 = arith.index_cast %scan3A_191 : i32 to index
        %get3A_307 = arith.index_cast %add3A_295 : i32 to index
        %get3A_308 = tpu.vector_load %arg12[%get3A_306, %get3A_307] {strides = array<i32>} : memref<32x1024xf32, #tpu.memory_space<vmem>>, vector<1x16xf32>,
        %get3A_309 = vector.shape_cast %get3A_308 : vector<1x16xf32> to vector<16xf32>
        %mul3A_310 = arith.mulf %get3A_309, %select_n3A_226 : vector<16xf32>
        %swap3A_311 = arith.index_cast %scan3A_191 : i32 to index
        %swap3A_312 = arith.index_cast %add3A_295 : i32 to index
        %swap3A_313 = tpu.vector_load %arg12[%swap3A_311, %swap3A_312] {strides = array<i32>} : memref<32x1024xf32, #tpu.memory_space<vmem>>, vector<1x16xf32>,
        %swap3A_314 = vector.shape_cast %swap3A_313 : vector<1x16xf32> to vector<16xf32>
        %swap3A_315 = vector.shape_cast %mul3A_310 : vector<16xf32> to vector<1x16xf32>
        tpu.vector_store %arg12[%swap3A_311, %swap3A_312], %swap3A_315 {strides = array<i32>} : memref<32x1024xf32, #tpu.memory_space<vmem>>, vector<1x16xf32>,
        %scan3A_316 = arith.constant 0 : i32
        scf.yield %scan3A_316 : i32
      }
      %scan3A_207 = arith.constant 16 : i32
      %scan3A_208 = arith.constant 0 : i32
      scf.yield %scan3A_208 : i32
    }
    %scan3A_190 = arith.constant 32 : i32
    "tpu.region"() ({
      %run_scoped3A = tpu.sem_alloc : memref<!tpu.dma_semaphore, #tpu.memory_space<semaphore_mem>>
      %dma_start3A = arith.constant 0 : i32
      %dma_start3A_191 = tpu.memref_slice %arg9[%add3A, %dma_start3A, %mul3A_56] : memref<16x32x2048xf32, #tpu.memory_space<hbm>> -> memref<1x32x1024xf32, #tpu.memory_space<hbm>>
      %dma_start3A_192 = tpu.memref_squeeze %dma_start3A_191 : memref<1x32x1024xf32, #tpu.memory_space<hbm>> -> memref<32x1024xf32, #tpu.memory_space<hbm>>
      %dma_start3A_193 = arith.constant 0 : i32
      %dma_start3A_194 = tpu.memref_slice %arg9[%add3A, %dma_start3A_193, %mul3A_56] : memref<16x32x2048xf32, #tpu.memory_space<hbm>> -> memref<1x32x1024xf32, #tpu.memory_space<hbm>>
      %dma_start3A_195 = tpu.memref_squeeze %dma_start3A_194 : memref<1x32x1024xf32, #tpu.memory_space<hbm>> -> memref<32x1024xf32, #tpu.memory_space<hbm>>
      tpu.enqueue_dma source(%arg11 : memref<32x1024xf32, #tpu.memory_space<vmem>>) target(%dma_start3A_195 : memref<32x1024xf32, #tpu.memory_space<hbm>>) target_semaphore(%run_scoped3A : memref<!tpu.dma_semaphore, #tpu.memory_space<semaphore_mem>>)
      %dma_wait3A = arith.constant 0 : i32
      %dma_wait3A_196 = tpu.memref_slice %arg9[%add3A, %dma_wait3A, %mul3A_56] : memref<16x32x2048xf32, #tpu.memory_space<hbm>> -> memref<1x32x1024xf32, #tpu.memory_space<hbm>>
      %dma_wait3A_197 = tpu.memref_squeeze %dma_wait3A_196 : memref<1x32x1024xf32, #tpu.memory_space<hbm>> -> memref<32x1024xf32, #tpu.memory_space<hbm>>
      %dma_wait3A_198 = arith.constant 0 : i32
      %dma_wait3A_199 = tpu.memref_slice %arg9[%add3A, %dma_wait3A_198, %mul3A_56] : memref<16x32x2048xf32, #tpu.memory_space<hbm>> -> memref<1x32x1024xf32, #tpu.memory_space<hbm>>
      %dma_wait3A_200 = tpu.memref_squeeze %dma_wait3A_199 : memref<1x32x1024xf32, #tpu.memory_space<hbm>> -> memref<32x1024xf32, #tpu.memory_space<hbm>>
      tpu.wait_dma2 semaphore(%run_scoped3A : memref<!tpu.dma_semaphore, #tpu.memory_space<semaphore_mem>>) src(%arg11 : memref<32x1024xf32, #tpu.memory_space<vmem>>) dst(%dma_wait3A_200 : memref<32x1024xf32, #tpu.memory_space<hbm>>)
      tpu.yield
    }) : () -> ()
    "tpu.region"() ({
      %run_scoped3A = tpu.sem_alloc : memref<!tpu.dma_semaphore, #tpu.memory_space<semaphore_mem>>
      %dma_start3A = arith.constant 0 : i32
      %dma_start3A_191 = tpu.memref_slice %arg10[%add3A, %dma_start3A, %mul3A_56] : memref<16x32x2048xf32, #tpu.memory_space<hbm>> -> memref<1x32x1024xf32, #tpu.memory_space<hbm>>
      %dma_start3A_192 = tpu.memref_squeeze %dma_start3A_191 : memref<1x32x1024xf32, #tpu.memory_space<hbm>> -> memref<32x1024xf32, #tpu.memory_space<hbm>>
      %dma_start3A_193 = arith.constant 0 : i32
      %dma_start3A_194 = tpu.memref_slice %arg10[%add3A, %dma_start3A_193, %mul3A_56] : memref<16x32x2048xf32, #tpu.memory_space<hbm>> -> memref<1x32x1024xf32, #tpu.memory_space<hbm>>
      %dma_start3A_195 = tpu.memref_squeeze %dma_start3A_194 : memref<1x32x1024xf32, #tpu.memory_space<hbm>> -> memref<32x1024xf32, #tpu.memory_space<hbm>>
      tpu.enqueue_dma source(%arg12 : memref<32x1024xf32, #tpu.memory_space<vmem>>) target(%dma_start3A_195 : memref<32x1024xf32, #tpu.memory_space<hbm>>) target_semaphore(%run_scoped3A : memref<!tpu.dma_semaphore, #tpu.memory_space<semaphore_mem>>)
      %dma_wait3A = arith.constant 0 : i32
      %dma_wait3A_196 = tpu.memref_slice %arg10[%add3A, %dma_wait3A, %mul3A_56] : memref<16x32x2048xf32, #tpu.memory_space<hbm>> -> memref<1x32x1024xf32, #tpu.memory_space<hbm>>
      %dma_wait3A_197 = tpu.memref_squeeze %dma_wait3A_196 : memref<1x32x1024xf32, #tpu.memory_space<hbm>> -> memref<32x1024xf32, #tpu.memory_space<hbm>>
      %dma_wait3A_198 = arith.constant 0 : i32
      %dma_wait3A_199 = tpu.memref_slice %arg10[%add3A, %dma_wait3A_198, %mul3A_56] : memref<16x32x2048xf32, #tpu.memory_space<hbm>> -> memref<1x32x1024xf32, #tpu.memory_space<hbm>>
      %dma_wait3A_200 = tpu.memref_squeeze %dma_wait3A_199 : memref<1x32x1024xf32, #tpu.memory_space<hbm>> -> memref<32x1024xf32, #tpu.memory_space<hbm>>
      tpu.wait_dma2 semaphore(%run_scoped3A : memref<!tpu.dma_semaphore, #tpu.memory_space<semaphore_mem>>) src(%arg12 : memref<32x1024xf32, #tpu.memory_space<vmem>>) dst(%dma_wait3A_200 : memref<32x1024xf32, #tpu.memory_space<hbm>>)
      tpu.yield
    }) : () -> ()
    return
  }
}

</mosaic_0001>

<sc_bundles>
// kernel: kernel.3.cloned.1.call-start
scs
__scs_entry_jumppad:
0x0: {  	(pc) =	sbr.rel $0x88, $3  }
0x1: {  	(tag) =	ssettag $0x0;
	lr =	simm.s32 $0x1  }
0x2: {  	[smem:$0x3F99] =	sst lr;
	_ =	strace $0xD0000000  }
0x3: {  	_ = 	snop  }
0x4: {  	_ = 	snop  }
0x5: {  	_ = 	snop  }
0x6: {  	_ = 	snop  }
0x7: {  	_ = 	snop  }
__scs_overlays_trampoline_lowered:
0x8: {  	[smem:$0x3FA8] =	sst s0  }
0x9: {  	[smem:$0x3FA9] =	sst s1  }
0xa: {  	[smem:$0x3FAA] =	sst s2  }
0xb: {  	[smem:$0x3FAB] =	sst s3  }
0xc: {  	[smem:$0x3FAC] =	sst s4  }
0xd: {  	[smem:$0x3FAD] =	sst s5  }
0xe: {  	[smem:$0x3FAE] =	sst s6  }
0xf: {  	[smem:$0x3FAF] =	sst s7  }
0x10: {  	[smem:$0x3FB0] =	sst s8  }
0x11: {  	[smem:$0x3FB1] =	sst s9;
	s0 =	simm.s32 @!p0 $0x0  }
0x12: {  	s1 =	sld [smem:$0x3F97];
	s0 =	simm.s32 @p0 $0x1  }
0x13: {  	[smem:$0x3FB2] =	sst s0;
	s0 =	simm.s32 @!p1 $0x0  }
0x14: {  	s2 =	sld [smem:$0x3F96];
	s0 =	simm.s32 @p1 $0x1  }
0x15: {  	[smem:$0x3FB3] =	sst s0;
	s0 =	simm.s32 @!p2 $0x0  }
0x16: {  	s3 =	sld [smem:$0x3FDB];
	s0 =	simm.s32 @p2 $0x1  }
0x17: {  	s4 =	simm.s32 $0x1BF5;
	[smem:$0x3FB5] =	sst s0  }
0x18: {  	s0 =	sld [smem:$0x3F98];
	_ =	swait.ge [sflag:s4], $0x0  }
0x19: {  	s7 =	sld [smem:$0x3F99]  }
0x1a: {  	s8 =	sadd.s32 $0xFFFFE003, lr  }
0x1b: {  	s9 =	sadd.s32 $0xFFFFFEF7, lr;
	s5 =	simm.s32 $0xFFFFFFFF;
	p2 =	slt.u32 s8, $0xFFFFF086  }
0x1c: {  	p1 =	slt.u32 s9, $0xF7A;
	s5 =	simm.s32 @!p2 $0x0  }
0x1d: {  	s5 =	simm.s32 @p1 $0x1;
	p0 =	seq.s32 s7, s2  }
0x1e: {  	s7 =	smul.u32 @!p0 $0xF7A, s2;
	p2 =	seq.s32 @!p0 s5, $0x0  }
0x1f: {  	s9 =	smul.u32 $0xF7A, s1;
	s8 =	simm.s32 @!p0 $0x1BF5;
	p2 =	por !p2, p0  }
0x20: {  	[sflag:s8] =	ssyncset.s32 @!p0 $0xFFFFF086;
	s6 =	sadd.s32 @!p0 s3, s7;
	s7 =	simm.s32 @!p0 $0x108  }
0x21: {  	s3 =	sadd.s32 s3, s9;
	s6 =	sadd.s32 @!p0 $0x88, s6;
	s7 =	simm.s32 @p2 $0x1082  }
0x22: {  	[simem:s7], [sflag:s8] =	dma.local @!p0 [hbm:s6], $0xF7A  }
0x23: {  	s9 =	sor.u32 $0xD0000000, s2;
	s6 =	simm.s32 $0x108;
	_ =	swait.ge @!p0 [sflag:s8], $0x0  }
0x24: {  	s3 =	sadd.s32 $0x88, s3;
	s6 =	simm.s32 @!p1 $0x1082;
	[sflag:s4] =	ssyncset.s32 $0xFFFFF086  }
0x25: {  	[simem:s6], [sflag:s4] =	dma.local [hbm:s3], $0xF7A  }
0x26: {  	[smem:$0x3F99] =	sst s1;
	(tag) =	ssettag s2;
	_ =	strace s9  }
0x27: {  	s1 =	sld [smem:$0x3FA9]  }
0x28: {  	s2 =	sld [smem:$0x3FAA]  }
0x29: {  	s4 =	sld [smem:$0x3FAC]  }
0x2a: {  	p0 =	seq.s32 s5, $0x0;
	s5 =	sld [smem:$0x3FAD]  }
0x2b: {  	s6 =	sld [smem:$0x3FAE]  }
0x2c: {  	s7 =	sld [smem:$0x3FAF]  }
0x2d: {  	s3 =	simm.s32 $0x108;
	s8 =	sld [smem:$0x3FB0]  }
0x2e: {  	s3 =	simm.s32 @!p0 $0x1082;
	s9 =	sld [smem:$0x3FB1]  }
0x2f: {  	lr =	sadd.s32 s0, s3;
	s0 =	sld [smem:$0x3FA8]  }
0x30: {  	s3 =	sld [smem:$0x3FAB]  }
0x31: {  	[smem:$0x3FB4] =	sst s10  }
0x32: {  	s10 =	sld [smem:$0x3FB2];
	_ =	sdelay $0x3  }
0x33: {  	p0 =	seq.s32 s10, $0x1;
	s10 =	sld [smem:$0x3FB4];
	_ =	sdelay $0x3  }
0x34: {  	[smem:$0x3FB4] =	sst s10  }
0x35: {  	s10 =	sld [smem:$0x3FB3];
	_ =	sdelay $0x3  }
0x36: {  	p1 =	seq.s32 s10, $0x1;
	s10 =	sld [smem:$0x3FB4];
	_ =	sdelay $0x3  }
0x37: {  	[smem:$0x3FB4] =	sst s10  }
0x38: {  	s10 =	sld [smem:$0x3FB5]  }
0x39: {  	_ = 	snop;
	(pc) =	sbr.ind lr, $3  }
0x3a: {  	_ = 	snop  }
0x3b: {  	_ = 	snop  }
0x3c: {  	p2 =	seq.s32 s10, $0x1;
	s10 =	sld [smem:$0x3FB4]  }
0x3d: {  	_ =	shalt  }
0x3e: {  	_ =	shalt  }
0x3f: {  	_ =	shalt  }
0x40: {  	_ =	shalt  }
0x41: {  	_ =	shalt  }
0x42: {  	_ =	shalt  }
0x43: {  	_ =	shalt  }
0x44: {  	_ =	shalt  }
0x45: {  	_ =	shalt  }
0x46: {  	_ =	shalt  }
0x47: {  	_ =	shalt  }
0x48: {  	_ =	shalt  }
0x49: {  	_ =	shalt  }
0x4a: {  	_ =	shalt  }
0x4b: {  	_ =	shalt  }
0x4c: {  	_ =	shalt  }
0x4d: {  	_ =	shalt  }
0x4e: {  	_ =	shalt  }
0x4f: {  	_ =	shalt  }
0x50: {  	_ =	shalt  }
0x51: {  	_ =	shalt  }
0x52: {  	_ =	shalt  }
0x53: {  	_ =	shalt  }
0x54: {  	_ =	shalt  }
0x55: {  	_ =	shalt  }
0x56: {  	_ =	shalt  }
0x57: {  	_ =	shalt  }
0x58: {  	_ =	shalt  }
0x59: {  	_ =	shalt  }
0x5a: {  	_ =	shalt  }
0x5b: {  	_ =	shalt  }
0x5c: {  	_ =	shalt  }
0x5d: {  	_ =	shalt  }
0x5e: {  	_ =	shalt  }
0x5f: {  	_ =	shalt  }
0x60: {  	_ =	shalt  }
0x61: {  	_ =	shalt  }
0x62: {  	_ =	shalt  }
0x63: {  	_ =	shalt  }
0x64: {  	_ =	shalt  }
0x65: {  	_ =	shalt  }
0x66: {  	_ =	shalt  }
0x67: {  	_ =	shalt  }
0x68: {  	_ =	shalt  }
0x69: {  	_ =	shalt  }
0x6a: {  	_ =	shalt  }
0x6b: {  	_ =	shalt  }
0x6c: {  	_ =	shalt  }
0x6d: {  	_ =	shalt  }
0x6e: {  	_ =	shalt  }
0x6f: {  	_ =	shalt  }
0x70: {  	_ =	shalt  }
0x71: {  	_ =	shalt  }
0x72: {  	_ =	shalt  }
0x73: {  	_ =	shalt  }
0x74: {  	_ =	shalt  }
0x75: {  	_ =	shalt  }
0x76: {  	_ =	shalt  }
0x77: {  	_ =	shalt  }
0x78: {  	_ =	shalt  }
0x79: {  	_ =	shalt  }
0x7a: {  	_ =	shalt  }
0x7b: {  	_ =	shalt  }
0x7c: {  	_ =	shalt  }
0x7d: {  	_ =	shalt  }
0x7e: {  	_ =	shalt  }
0x7f: {  	_ =	shalt  }
0x80: {  	_ =	shalt  }
0x81: {  	_ =	shalt  }
0x82: {  	_ =	shalt  }
0x83: {  	_ =	shalt  }
0x84: {  	_ =	shalt  }
0x85: {  	_ =	shalt  }
0x86: {  	_ =	shalt  }
0x87: {  	_ =	shalt  }
.Lfunc_end0:
.L_simem_size_0:
called_computation_lowered:
.L_overlay_start_0:
0x88: {  	s2 =	sld [smem:$0x3FD9]  }
0x89: {  	s3 =	sld [smem:$0x3FFE];
	_ =	sdelay $0x1  }
0x8a: {  	s1 =	srdreg.scid  }
0x8b: {  	s0 =	sand.u32 $0x1, s1  }
0x8c: {  	s14 =	sshll.u32 s0, $0xA;
	s2 =	sadd.s32 s3, s2  }
0x8d: {  	s2 =	sadd.s32 s2, s14  }
0x8e: {  	[smem:$0x3FC0] =	sst s2  }
0x8f: {  	_ = 	snop  }
0x90: {  	s2 =	sld [smem:$0x3FC9]  }
0x91: {  	s15 =	sld [smem:$0x3FD0]  }
0x92: {  	s4 =	sld [smem:$0x3FC8]  }
0x93: {  	s5 =	sld [smem:$0x3FC6]  }
0x94: {  	s7 =	simm.s32 $0xA;
	s8 =	simm.s32 $0x10;
	s6 =	sld [smem:$0x3FC4]  }
0x95: {  	[smem:s8], [sflag:s7] =	dma.local [hbm:s15], $0x1  }
0x96: {  	_ =	swait.eq [sflag:s7], $0x1  }
0x97: {  	[sflag:s7] =	ssyncset.done $0x0  }
0x98: {  	s16 =	sld [smem:$0x10];
	[sflag:s7] =	ssyncadd.s32 $0xFFFFFFFF  }
0x99: {  	s17 =	sld [smem:$0x11];
	(tm) =	ssettm $0x1  }
0x9a: {  	s18 =	sld [smem:$0x3FFB];
	_ =	sdelay $0x3  }
0x9b: {  	_ =	strace s18  }
0x9c: {  	s8 =	sld [smem:$0x3FFC];
	_ =	sdelay $0x3  }
0x9d: {  	_ =	strace s8  }
0x9e: {  	s8 =	sld [smem:$0x3FFD];
	_ =	sdelay $0x3  }
0x9f: {  	_ =	strace s8  }
0xa0: {  	_ =	strace $0x8FFFFFFF  }
0xa1: {  	s19 =	sld [smem:$0x3FDB];
	_ =	sdelay $0x1  }
0xa2: {  	s9 =	simm.s32 $_scs_section_size  }
0xa3: {  	s10 =	simm.s32 $_size__tile_overlayer_lowered;
	s11 =	simm.s32 $_tile_overlayer_lowered  }
0xa4: {  	s22 =	simm.s32 $0x1BFF;
	s21 =	sshll.u32 s11, $0x1;
	s8 =	sadd.s32 s9, s19  }
0xa5: {  	s12 =	simm.s32 $0x0;
	s20 =	sshll.u32 s10, $0x1;
	s10 =	sadd.s32 s21, s8  }
0xa6: {  	[timem:s12], [sflag:s22] =	dma.local [hbm:s10], s20  }
0xa7: {  	_ =	swait.ge [sflag:s22], s20  }
0xa8: {  	s9 =	ssub.s32 $0x0, s20;
	[sflag:s22] =	ssyncset.done $0x0  }
0xa9: {  	[sflag:s22] =	ssyncadd.s32 s9;
	_ =	sdelay $0x1  }
0xaa: {  	s23 =	simm.s32 $0x1B8B  }
0xab: {  	_ =	swait.ge [sflag:s23], $0x1  }
0xac: {  	[sflag:s23] =	ssyncset.done $0x0  }
0xad: {  	s25 =	simm.s32 $0x1B8E;
	s24 =	sld [smem:$0x3FFE];
	[sflag:s23] =	ssyncadd.s32 $0xFFFFFFFF  }
0xae: {  	s26 =	simm.s32 $execute0_lowered;
	[smem:$0x3FD2] =	sst s25  }
0xaf: {  	s10 =	sshll.u32 s26, $0x1;
	_ =	strace $0x80000046;
	[dreg:$0x1] =	wrdreg $0xFFFFFFFF  }
0xb0: {  	s28 =	simm.s32 $_size_execute0_lowered;
	s8 =	sadd.s32 s8, s10;
	[dreg:$0x0] =	wrdreg $0x0  }
0xb1: {  	s10 =	sshll.u32 s28, $0x1;
	[dreg:$0x2] =	wrdreg s8  }
0xb2: {  	[dreg:$0x3] =	wrdreg s10  }
0xb3: {  	[dreg:$0x4] =	wrdreg $0xC0  }
0xb4: {  	_ =	task [dreg:s12], $0x5FFFF  }
0xb5: {  	[dreg:$0x1] =	wrdreg $0xFFFFFFFF  }
0xb6: {  	[dreg:$0x0] =	wrdreg $0x60  }
0xb7: {  	[dreg:$0x2] =	wrdreg s2  }
0xb8: {  	[dreg:$0x3] =	wrdreg s4  }
0xb9: {  	[dreg:$0x4] =	wrdreg s24  }
0xba: {  	[dreg:$0x5] =	wrdreg s5  }
0xbb: {  	[dreg:$0x6] =	wrdreg s6  }
0xbc: {  	[dreg:$0x7] =	wrdreg s16  }
0xbd: {  	[dreg:$0x8] =	wrdreg s17  }
0xbe: {  	[dreg:$0x9] =	wrdreg $0x1A3000  }
0xbf: {  	[dreg:$0xa] =	wrdreg $0x9  }
0xc0: {  	_ =	task.clear_ibuf [dreg:s12], $0xBFFFF;
	_ =	strace $0x90000046  }
0xc1: {  	s29 =	simm.s32 $0x9;
	_ =	strace $0x80000048  }
0xc2: {  	_ =	swait.ge [sflag:s29], $0x1  }
0xc3: {  	[sflag:s29] =	ssyncadd.s32 $0xFFFFFFFF  }
0xc4: {  	_ =	strace $0x90000048  }
0xc5: {  	_ =	sfence  }
0xc6: {  	s30 =	sld [smem:$0x0];
	_ =	sdelay $0x2  }
0xc7: {  	s31 =	sshll.u32 s1, $0xD;
	s1 =	sshrl.u32 s1, $0x2  }
0xc8: {  	s3 =	sand.u32 $0x4000, s31;
	s1 =	sadd.s32 s1, s30  }
0xc9: {  	s0 =	sor.u32 s3, s0;
	s1 =	sshll.u32 s1, $0x11  }
0xca: {  	s0 =	sor.u32 s1, s0  }
0xcb: {  	s0 =	sadd.s32 $0x8F2B, s0  }
0xcc: {  	[sflag:s0] =	ssyncadd.remote.s32 $0x1  }
0xcd: {  	_ =	sfence.sel $0xFFFF  }
0xce: {  	[dreg:$0x0] =	wrdreg $0xFFFFFFFF;
	(pc) =	sbr.abs _section_cstart, $3  }
0xcf: {  	[dreg:$0x1] =	wrdreg $0xFFFFFFFF  }
0xd0: {  	_ =	task.clear_ibuf [dreg:s12], $0x2FFFF;
	_ =	strace $0x9FFFFFFF  }
0xd1: {  	(tm) =	ssettm $0x7FFFFFFF  }
tec
execute0_lowered:
.L_overlay_start_1:
0x0: {  	(tag) =	ssettag $0x1  }
0x1: {  	s0 =	rddreg [dreg:$0x0]  }
0x2: {  	s1 =	rddreg [dreg:$0x1]  }
0x3: {  	s2 =	rddreg [dreg:$0x2]  }
0x4: {  	s4 =	rddreg [dreg:$0x5]  }
0x5: {  	s14 =	rddreg [dreg:$0x6]  }
0x6: {  	s9 =	rddreg [dreg:$0x7];
	s3 =	simm.s32 $0x0;
	s6 =	srdreg.scid;
	v0 =	vimm.s32 $0xFEDCBA98  }
0x7: {  	s26 =	stileid.u32;
	v1 =	vimm.s32 $0x76543210;
	v2 =	vimm.s32 $0xBA98FEDC;
	s16 =	simm.s32 $0x2000;
	s17 =	simm.s32 $0x4000  }
0x8: {  	v3 =	vimm.s32 $0x32107654;
	v4 =	vimm.s32 $0xDCFE98BA;
	s18 =	simm.s32 $0x1;
	s19 =	simm.s32 $0x8000;
	s28 =	simm.s32 $0x0  }
0x9: {  	v5 =	vimm.s32 $0x54761032;
	v6 =	vimm.s32 $0xEFCDAB89;
	[smem:$0x7FF] =	sst s3;
	s5 =	sadd.s32 $0xA00, s2;
	s8 =	sand.u32 $0x1, s6  }
0xa: {  	v7 =	vimm.s32 $0x67452301;
	v0 =	vunpack.c.l.s4.s8 v0;
	s6 =	sadd.s32 $0xC00, s2;
	s7 =	sadd.s32 $0xE00, s2;
	s11 =	sshrl.u32 s26, $0x1;
	v1 =	vunpack.c.l.s4.s8 v1  }
0xb: {  	s12 =	sand.u32 $0x1, s26;
	v2 =	vunpack.c.l.s4.s8 v2;
	v3 =	vunpack.c.l.s4.s8 v3;
	v4 =	vunpack.c.l.s4.s8 v4;
	_ =	strace $0x80000047;
	[dreg:$0x9] =	wrdreg s5  }
0xc: {  	v5 =	vunpack.c.l.s4.s8 v5;
	v6 =	vunpack.c.l.s4.s8 v6;
	v7 =	vunpack.c.l.s4.s8 v7;
	s10 =	ssub.s32 $0x2, s8;
	s8 =	sshll.u32 s8, $0x10;
	s13 =	sshll.u32 s11, $0xD  }
0xd: {  	s30 =	sshll.u32 s12, $0xA;
	s11 =	sshll.u32 s11, $0xE;
	s31 =	sshll.u32 s12, $0xD;
	v0 =	vunpack.c.0.s8.s32 v0;
	v1 =	vunpack.c.0.s8.s32 v1;
	v2 =	vunpack.c.0.s8.s32 v2  }
0xe: {  	s12 =	sshll.u32 s12, $0x4;
	s29 =	sshrl.u32 s10, $0x1;
	s8 =	sor.u32 s8, s13;
	v3 =	vunpack.c.0.s8.s32 v3;
	v4 =	vunpack.c.0.s8.s32 v4;
	v5 =	vunpack.c.0.s8.s32 v5  }
0xf: {  	s9 =	sadd.s32 s11, s9;
	v6 =	vunpack.c.0.s8.s32 v6;
	v7 =	vunpack.c.0.s8.s32 v7;
	s2 =	ssub.s32 s10, s29;
	s15 =	sor.u32 s30, s8;
	v0 =	vand.u32 $0xF, v0  }
0x10: {  	s11 =	sadd.s32 s31, s9;
	s8 =	sadd.s32 s0, s15;
	s10 =	sadd.s32 s1, s15;
	v0 =	vcombine.low v0, v1;
	v1 =	vcombine.low v3, v2;
	v2 =	vlaneseq.u32  }
0x11: {  	s13 =	sadd.s32 s4, s15;
	s14 =	sadd.s32 s14, s15;
	s15 =	smax.u32 s2, $0x1;
	v3 =	vcombine.low v5, v4;
	v4 =	vcombine.low v7, v6;
	v5 =	vor.u32 $0x10, v2  }
.LBB2_1:
0x12: {  	[tilespmem:s3], [sflag:$0x1] =	stream.strided.gather [hbm4b:s8+s16], $0x8000, s17, s16, $0x38;
	[tilespmem:$0x1A700] =	vst v63  }
0x13: {  	_ =	swait.ge [sflag:s18], $0x8000  }
0x14: {  	[sflag:s18] =	ssyncset.done $0x0  }
0x15: {  	[sflag:s18] =	ssyncadd.s32 $0xFFFF8000  }
0x16: {  	[tilespmem:s19], [sflag:$0x1] =	stream.strided.gather [hbm4b:s10+s16], $0x8000, s17, s16, $0x38;
	[tilespmem:$0x1A700] =	vst v63  }
0x17: {  	_ =	swait.ge [sflag:s18], $0x8000  }
0x18: {  	[sflag:s18] =	ssyncset.done $0x0  }
0x19: {  	s1 =	simm.s32 $0x18000;
	s0 =	rddreg [dreg:$0x9];
	[sflag:s18] =	ssyncadd.s32 $0xFFFF8000  }
0x1a: {  	[tilespmem:s1], [sflag:$0x1] =	stream.linear.gather [hbm4b:s0+s3], $0x1000, $0x38;
	[tilespmem:$0x1A700] =	vst v63  }
0x1b: {  	_ =	swait.ge [sflag:s18], $0x1000  }
0x1c: {  	[sflag:s18] =	ssyncset.done $0x0  }
0x1d: {  	s23 =	simm.s32 $0x19000;
	[sflag:s18] =	ssyncadd.s32 $0xFFFFF000  }
0x1e: {  	[tilespmem:s23], [sflag:$0x1] =	stream.linear.gather [hbm4b:s6+s3], $0x1000, $0x38;
	[tilespmem:$0x1A700] =	vst v63  }
0x1f: {  	_ =	swait.ge [sflag:s18], $0x1000  }
0x20: {  	[sflag:s18] =	ssyncset.done $0x0  }
0x21: {  	[sflag:s18] =	ssyncadd.s32 $0xFFFFF000  }
0x22: {  	s25 =	simm.s32 $0x1A000;
	s24 =	rddreg [dreg:$0x3]  }
0x23: {  	[tilespmem:s25], [sflag:$0x1] =	stream.linear.gather [hbm4b:s24+s3], $0x80, $0x38;
	[tilespmem:$0x1A700] =	vst v63  }
0x24: {  	_ =	swait.ge [sflag:s18], $0x80  }
0x25: {  	[sflag:s18] =	ssyncset.done $0x0  }
0x26: {  	[sflag:s18] =	ssyncadd.s32 $0xFFFFFF80  }
0x27: {  	s29 =	simm.s32 $0x1A080;
	s26 =	rddreg [dreg:$0x4]  }
0x28: {  	[tilespmem:s29], [sflag:$0x1] =	stream.linear.gather [hbm4b:s26+s3], $0x80, $0x38;
	[tilespmem:$0x1A700] =	vst v63  }
0x29: {  	_ =	swait.ge [sflag:s18], $0x80  }
0x2a: {  	[sflag:s18] =	ssyncset.done $0x0  }
0x2b: {  	s31 =	simm.s32 $0x1A100;
	[sflag:s18] =	ssyncadd.s32 $0xFFFFFF80  }
0x2c: {  	[tilespmem:s31], [sflag:$0x1] =	stream.linear.gather [hbm4b:s7+s3], $0x180, $0x38;
	[tilespmem:$0x1A700] =	vst v63  }
0x2d: {  	_ =	swait.ge [sflag:s18], $0x180  }
0x2e: {  	[sflag:s18] =	ssyncset.done $0x0  }
0x2f: {  	s30 =	simm.s32 $0x0;
	[sflag:s18] =	ssyncadd.s32 $0xFFFFFE80  }
.LBB2_2:
0x30: {  	s29 =	sshll.u32 s30, $0x7  }
0x31: {  	s0 =	sand.u32 $0x380, s29  }
0x32: {  	v6 =	vmov s0  }
0x33: {  	s5 =	sshll.u32 s30, $0xA;
	s31 =	simm.s32 $0x0  }
0x34: {  	s1 =	sand.u32 $0x1C00, s31;
	s0 =	sand.u32 $0x6000, s5  }
0x35: {  	s2 =	sand.u32 $0x40, s31;
	s1 =	sadd.s32 s1, s0  }
0x36: {  	s1 =	sadd.s32 s2, s1  }
0x37: {  	v7 =	vld.idx.msk [tilespmem:v6+s1+$0x0 ss:$0x1], $0xffff  }
0x38: {  	v8 =	vld.idx.msk [tilespmem:v6+s1+$0x10 ss:$0x1], $0xffff;
	_ =	sdelay $0x1  }
0x39: {  	s20 =	simm.s32 $0x200;
	v9 =	vld.idx.msk [tilespmem:v6+s1+$0x20 ss:$0x1], $0xffff  }
0x3a: {  	s4 =	simm.s32 $0x40;
	s2 =	sand.u32 $0x1C00, s20  }
0x3b: {  	s4 =	sand.u32 $0x40, s4;
	s2 =	sadd.s32 s2, s0;
	v10 =	vld.idx.msk [tilespmem:v6+s1+$0x30 ss:$0x1], $0xffff  }
0x3c: {  	s21 =	sadd.s32 s4, s2;
	v7 =	vadd.f32 v8, v7  }
0x3d: {  	v11 =	vld.idx.msk [tilespmem:v6+s21+$0x0 ss:$0x1], $0xffff  }
0x3e: {  	v8 =	vld.idx.msk [tilespmem:v6+s21+$0x10 ss:$0x1], $0xffff;
	v7 =	vadd.f32 v9, v7;
	_ =	sdelay $0x1  }
0x3f: {  	s22 =	simm.s32 $0x400;
	v9 =	vld.idx.msk [tilespmem:v6+s21+$0x20 ss:$0x1], $0xffff;
	v7 =	vadd.f32 v10, v7  }
0x40: {  	s23 =	simm.s32 $0x80;
	s2 =	sand.u32 $0x1C00, s22  }
0x41: {  	s24 =	sand.u32 $0x40, s23;
	s2 =	sadd.s32 s2, s0;
	v10 =	vld.idx.msk [tilespmem:v6+s21+$0x30 ss:$0x1], $0xffff;
	v12 =	vperm.xlane v7, v0  }
0x42: {  	s1 =	sadd.s32 s24, s2;
	v8 =	vadd.f32 v8, v11  }
0x43: {  	v11 =	vld.idx.msk [tilespmem:v6+s1+$0x0 ss:$0x1], $0xffff;
	v7 =	vadd.f32 v12, v7  }
0x44: {  	v8 =	vadd.f32 v9, v8;
	v9 =	vld.idx.msk [tilespmem:v6+s1+$0x10 ss:$0x1], $0xffff  }
0x45: {  	v12 =	vperm.xlane v7, v1  }
0x46: {  	s25 =	simm.s32 $0x600;
	v8 =	vadd.f32 v10, v8;
	v10 =	vld.idx.msk [tilespmem:v6+s1+$0x20 ss:$0x1], $0xffff  }
0x47: {  	s26 =	simm.s32 $0xC0;
	s2 =	sand.u32 $0x1C00, s25;
	v7 =	vadd.f32 v12, v7  }
0x48: {  	s4 =	sand.u32 $0x40, s26;
	s2 =	sadd.s32 s2, s0;
	v13 =	vld.idx.msk [tilespmem:v6+s1+$0x30 ss:$0x1], $0xffff;
	v12 =	vperm.xlane v8, v0  }
0x49: {  	s26 =	sadd.s32 s4, s2;
	v9 =	vadd.f32 v9, v11;
	v14 =	vperm.xlane v7, v3  }
0x4a: {  	v11 =	vld.idx.msk [tilespmem:v6+s26+$0x10 ss:$0x1], $0xffff;
	v12 =	vadd.f32 v12, v8  }
0x4b: {  	s22 =	simm.s32 $0x100;
	v8 =	vld.idx.msk [tilespmem:v6+s26+$0x0 ss:$0x1], $0xffff;
	v15 =	vadd.f32 v10, v9;
	v9 =	vadd.f32 v14, v7  }
0x4c: {  	s20 =	simm.s32 $0x1;
	s24 =	sand.u32 $0x40, s22;
	s21 =	simm.s32 $0x800;
	v16 =	vperm.xlane v12, v1  }
0x4d: {  	s4 =	simm.s32 $0x3;
	s2 =	simm.s32 $0x4;
	s23 =	sand.u32 $0x1C00, s21;
	v10 =	vld.idx.msk [tilespmem:v6+s26+$0x20 ss:$0x1], $0xffff;
	v13 =	vadd.f32 v13, v15;
	v15 =	vperm.xlane v9, v4  }
0x4e: {  	s25 =	sadd.s32 s23, s0;
	s23 =	simm.s32 $0x5;
	s1 =	simm.s32 $0x2;
	v7 =	vimm.f32 $0.0e+00;
	v14 =	vld.idx.msk [tilespmem:v6+s26+$0x30 ss:$0x1], $0xffff;
	v12 =	vadd.f32 v16, v12  }
.LBB2_3:
0x4f: {  	p0 =	sne.s32 s23, $0xF;
	s26 =	sadd.s32 s24, s25;
	v16 =	vperm.xlane v13, v0;
	v9 =	vadd.f32 v15, v9;
	v15 =	vmov s31;
	s31 =	smov.u32 s20  }
0x50: {  	v17 =	vadd.f32 v11, v8;
	s20 =	smov.u32 s1;
	s1 =	smov.u32 s4;
	s4 =	smov.u32 s2;
	v8 =	vld.idx.msk [tilespmem:v6+s26+$0x0 ss:$0x1], $0xffff;
	v18 =	vperm.xlane v12, v3;
	vm0 =	veq.s32 v15, v2  }
.Ltmp0:
0x51: {  	s2 =	smov.u32 s23;
	v11 =	vld.idx.msk [tilespmem:v6+s26+$0x10 ss:$0x1], $0xffff;
	v16 =	vadd.f32 v16, v13;
	v7 =	vsel vm0, v9, v7;
	(pc) =	sbr.rel @p0 .LBB2_3-.Ltmp0, $4  }
0x52: {  	v13 =	vadd.f32 v10, v17;
	v9 =	vadd.f32 v18, v12  }
0x53: {  	s21 =	sadd.s32 $0x200, s21;
	v10 =	vld.idx.msk [tilespmem:v6+s26+$0x20 ss:$0x1], $0xffff;
	v12 =	vperm.xlane v16, v1  }
0x54: {  	s22 =	sadd.s32 $0x40, s22;
	s25 =	sand.u32 $0x1C00, s21;
	v13 =	vadd.f32 v14, v13;
	v15 =	vperm.xlane v9, v4  }
0x55: {  	s23 =	sadd.s32 $0x1, s23;
	s24 =	sand.u32 $0x40, s22;
	s25 =	sadd.s32 s25, s0;
	v14 =	vld.idx.msk [tilespmem:v6+s26+$0x30 ss:$0x1], $0xffff;
	v12 =	vadd.f32 v12, v16  }
0x56: {  	_ =	sdelay $0x2  }
0x57: {  	s0 =	sadd.s32 s24, s25  }
0x58: {  	v16 =	vld.idx.msk [tilespmem:v6+s0+$0x0 ss:$0x1], $0xffff  }
0x59: {  	v17 =	vld.idx.msk [tilespmem:v6+s0+$0x10 ss:$0x1], $0xffff;
	_ =	sdelay $0x1  }
0x5a: {  	v18 =	vld.idx.msk [tilespmem:v6+s0+$0x20 ss:$0x1], $0xffff;
	_ =	sdelay $0x1  }
0x5b: {  	v8 =	vadd.f32 v11, v8;
	v6 =	vld.idx.msk [tilespmem:v6+s0+$0x30 ss:$0x1], $0xffff  }
0x5c: {  	v44 =	vadd.f32 v17, v16  }
0x5d: {  	v8 =	vadd.f32 v10, v8  }
0x5e: {  	v45 =	vadd.f32 v18, v44  }
0x5f: {  	v8 =	vadd.f32 v14, v8  }
0x60: {  	v46 =	vperm.xlane v13, v0;
	v6 =	vadd.f32 v6, v45  }
0x61: {  	v48 =	vperm.xlane v8, v0  }
0x62: {  	v47 =	vadd.f32 v46, v13;
	v49 =	vperm.xlane v6, v0  }
0x63: {  	v8 =	vadd.f32 v48, v8  }
0x64: {  	v50 =	vperm.xlane v47, v1;
	v6 =	vadd.f32 v49, v6  }
0x65: {  	v11 =	vperm.xlane v8, v1  }
0x66: {  	v9 =	vadd.f32 v15, v9;
	v10 =	vadd.f32 v50, v47;
	v52 =	vperm.xlane v6, v1  }
0x67: {  	v54 =	vmov s31;
	v51 =	vperm.xlane v12, v3;
	v8 =	vadd.f32 v11, v8  }
0x68: {  	v58 =	vmov s20;
	v53 =	vperm.xlane v10, v3;
	v6 =	vadd.f32 v52, v6  }
0x69: {  	v59 =	vmov s1;
	v12 =	vadd.f32 v51, v12;
	v55 =	vperm.xlane v8, v3  }
0x6a: {  	v62 =	vmov s4;
	v10 =	vadd.f32 v53, v10;
	v57 =	vperm.xlane v6, v3  }
0x6b: {  	v63 =	vmov s2;
	v56 =	vperm.xlane v12, v4;
	v8 =	vadd.f32 v55, v8  }
0x6c: {  	vm0 =	veq.s32 v54, v2;
	v15 =	vperm.xlane v10, v4;
	v6 =	vadd.f32 v57, v6  }
0x6d: {  	s30 =	sadd.s32 $0x1, s30;
	v7 =	vsel vm0, v9, v7;
	v9 =	vadd.f32 v56, v12;
	v60 =	vperm.xlane v8, v4  }
0x6e: {  	vm12 =	veq.s32 v58, v2;
	p0 =	sne.s32 s30, $0x20;
	v10 =	vadd.f32 v15, v10;
	v61 =	vperm.xlane v6, v4  }
.Ltmp1:
0x6f: {  	vm13 =	veq.s32 v59, v2;
	v7 =	vsel vm12, v9, v7;
	v8 =	vadd.f32 v60, v8;
	(pc) =	sbr.rel @p0 .LBB2_2-.Ltmp1, $4  }
0x70: {  	vm14 =	veq.s32 v62, v2;
	v7 =	vsel vm13, v10, v7;
	v6 =	vadd.f32 v61, v6  }
0x71: {  	vm15 =	veq.s32 v63, v2;
	v7 =	vsel vm14, v8, v7  }
0x72: {  	s31 =	sand.u32 $0x3FFFFF80, s29;
	v6 =	vsel vm15, v6, v7  }
0x73: {  	s29 =	simm.s32 $0x0;
	[tilespmem:s31+$0x10000] =	vst v6  }
0x74: {  	s30 =	simm.s32 $0x0  }
.LBB2_6:
0x75: {  	s31 =	sshll.u32 s30, $0x7  }
0x76: {  	s0 =	sand.u32 $0x380, s31  }
0x77: {  	s1 =	sshll.u32 s30, $0xA;
	v6 =	vmov s0  }
0x78: {  	s4 =	sand.u32 $0x6000, s1  }
0x79: {  	s5 =	sand.u32 $0x1C00, s29;
	s0 =	sor.u32 $0x8000, s4  }
0x7a: {  	s2 =	sand.u32 $0x40, s29;
	s1 =	sadd.s32 s5, s0  }
0x7b: {  	s1 =	sadd.s32 s2, s1  }
0x7c: {  	v7 =	vld.idx.msk [tilespmem:v6+s1+$0x0 ss:$0x1], $0xffff  }
0x7d: {  	v8 =	vld.idx.msk [tilespmem:v6+s1+$0x10 ss:$0x1], $0xffff;
	_ =	sdelay $0x1  }
0x7e: {  	s20 =	simm.s32 $0x200;
	v9 =	vld.idx.msk [tilespmem:v6+s1+$0x20 ss:$0x1], $0xffff  }
0x7f: {  	s4 =	simm.s32 $0x40;
	s2 =	sand.u32 $0x1C00, s20  }
0x80: {  	s4 =	sand.u32 $0x40, s4;
	s2 =	sadd.s32 s2, s0;
	v10 =	vld.idx.msk [tilespmem:v6+s1+$0x30 ss:$0x1], $0xffff  }
0x81: {  	s21 =	sadd.s32 s4, s2;
	v7 =	vadd.f32 v8, v7  }
0x82: {  	v11 =	vld.idx.msk [tilespmem:v6+s21+$0x0 ss:$0x1], $0xffff  }
0x83: {  	v8 =	vld.idx.msk [tilespmem:v6+s21+$0x10 ss:$0x1], $0xffff;
	v7 =	vadd.f32 v9, v7;
	_ =	sdelay $0x1  }
0x84: {  	s22 =	simm.s32 $0x400;
	v9 =	vld.idx.msk [tilespmem:v6+s21+$0x20 ss:$0x1], $0xffff;
	v7 =	vadd.f32 v10, v7  }
0x85: {  	s23 =	simm.s32 $0x80;
	s2 =	sand.u32 $0x1C00, s22  }
0x86: {  	s24 =	sand.u32 $0x40, s23;
	s2 =	sadd.s32 s2, s0;
	v10 =	vld.idx.msk [tilespmem:v6+s21+$0x30 ss:$0x1], $0xffff;
	v12 =	vperm.xlane v7, v0  }
0x87: {  	s1 =	sadd.s32 s24, s2;
	v8 =	vadd.f32 v8, v11  }
0x88: {  	v11 =	vld.idx.msk [tilespmem:v6+s1+$0x0 ss:$0x1], $0xffff;
	v7 =	vadd.f32 v12, v7  }
0x89: {  	v8 =	vadd.f32 v9, v8;
	v9 =	vld.idx.msk [tilespmem:v6+s1+$0x10 ss:$0x1], $0xffff  }
0x8a: {  	v12 =	vperm.xlane v7, v1  }
0x8b: {  	s25 =	simm.s32 $0x600;
	v13 =	vld.idx.msk [tilespmem:v6+s1+$0x20 ss:$0x1], $0xffff;
	v8 =	vadd.f32 v10, v8  }
0x8c: {  	s26 =	simm.s32 $0xC0;
	s2 =	sand.u32 $0x1C00, s25;
	v7 =	vadd.f32 v12, v7  }
0x8d: {  	s4 =	sand.u32 $0x40, s26;
	s2 =	sadd.s32 s2, s0;
	v10 =	vperm.xlane v8, v0;
	v12 =	vld.idx.msk [tilespmem:v6+s1+$0x30 ss:$0x1], $0xffff  }
0x8e: {  	s21 =	sadd.s32 s4, s2;
	v9 =	vadd.f32 v9, v11;
	v11 =	vperm.xlane v7, v3  }
0x8f: {  	v16 =	vadd.f32 v10, v8;
	v8 =	vld.idx.msk [tilespmem:v6+s21+$0x0 ss:$0x1], $0xffff  }
0x90: {  	s23 =	simm.s32 $0x100;
	s22 =	simm.s32 $0x800;
	v10 =	vld.idx.msk [tilespmem:v6+s21+$0x10 ss:$0x1], $0xffff;
	v13 =	vadd.f32 v13, v9;
	v9 =	vadd.f32 v11, v7  }
0x91: {  	s20 =	simm.s32 $0x1;
	s24 =	sand.u32 $0x1C00, s22;
	s25 =	sand.u32 $0x40, s23;
	v17 =	vperm.xlane v16, v1  }
0x92: {  	s26 =	sadd.s32 s24, s0;
	s24 =	simm.s32 $0x5;
	s4 =	simm.s32 $0x3;
	v11 =	vld.idx.msk [tilespmem:v6+s21+$0x20 ss:$0x1], $0xffff;
	v14 =	vadd.f32 v12, v13;
	v15 =	vperm.xlane v9, v4  }
0x93: {  	s2 =	simm.s32 $0x4;
	s1 =	simm.s32 $0x2;
	v7 =	vimm.f32 $0.0e+00;
	v13 =	vld.idx.msk [tilespmem:v6+s21+$0x30 ss:$0x1], $0xffff;
	v12 =	vadd.f32 v17, v16;
	s21 =	simm.s32 $0x0  }
.LBB2_7:
0x94: {  	p0 =	sne.s32 s24, $0xF;
	s5 =	sadd.s32 s25, s26;
	v16 =	vperm.xlane v14, v0;
	v9 =	vadd.f32 v15, v9;
	v15 =	vmov s21;
	s21 =	smov.u32 s20  }
0x95: {  	v17 =	vadd.f32 v10, v8;
	s20 =	smov.u32 s1;
	s1 =	smov.u32 s4;
	s4 =	smov.u32 s2;
	v8 =	vld.idx.msk [tilespmem:v6+s5+$0x0 ss:$0x1], $0xffff;
	v18 =	vperm.xlane v12, v3;
	vm0 =	veq.s32 v15, v2  }
.Ltmp2:
0x96: {  	s2 =	smov.u32 s24;
	v10 =	vld.idx.msk [tilespmem:v6+s5+$0x10 ss:$0x1], $0xffff;
	v16 =	vadd.f32 v16, v14;
	v7 =	vsel vm0, v9, v7;
	(pc) =	sbr.rel @p0 .LBB2_7-.Ltmp2, $4  }
0x97: {  	v14 =	vadd.f32 v11, v17;
	v9 =	vadd.f32 v18, v12  }
0x98: {  	s22 =	sadd.s32 $0x200, s22;
	v11 =	vld.idx.msk [tilespmem:v6+s5+$0x20 ss:$0x1], $0xffff;
	v12 =	vperm.xlane v16, v1  }
0x99: {  	s23 =	sadd.s32 $0x40, s23;
	s26 =	sand.u32 $0x1C00, s22;
	v14 =	vadd.f32 v13, v14;
	v15 =	vperm.xlane v9, v4  }
0x9a: {  	s24 =	sadd.s32 $0x1, s24;
	s25 =	sand.u32 $0x40, s23;
	s26 =	sadd.s32 s26, s0;
	v13 =	vld.idx.msk [tilespmem:v6+s5+$0x30 ss:$0x1], $0xffff;
	v12 =	vadd.f32 v12, v16  }
0x9b: {  	_ =	sdelay $0x2  }
0x9c: {  	s0 =	sadd.s32 s25, s26  }
0x9d: {  	v16 =	vld.idx.msk [tilespmem:v6+s0+$0x0 ss:$0x1], $0xffff  }
0x9e: {  	v17 =	vld.idx.msk [tilespmem:v6+s0+$0x10 ss:$0x1], $0xffff;
	_ =	sdelay $0x1  }
0x9f: {  	v18 =	vld.idx.msk [tilespmem:v6+s0+$0x20 ss:$0x1], $0xffff;
	_ =	sdelay $0x1  }
0xa0: {  	v8 =	vadd.f32 v10, v8;
	v6 =	vld.idx.msk [tilespmem:v6+s0+$0x30 ss:$0x1], $0xffff  }
0xa1: {  	v46 =	vadd.f32 v17, v16  }
0xa2: {  	v8 =	vadd.f32 v11, v8  }
0xa3: {  	v10 =	vadd.f32 v18, v46  }
0xa4: {  	v8 =	vadd.f32 v13, v8  }
0xa5: {  	v47 =	vperm.xlane v14, v0;
	v6 =	vadd.f32 v6, v10  }
0xa6: {  	v49 =	vperm.xlane v8, v0  }
0xa7: {  	v48 =	vadd.f32 v47, v14;
	v50 =	vperm.xlane v6, v0  }
0xa8: {  	v8 =	vadd.f32 v49, v8  }
0xa9: {  	v14 =	vperm.xlane v48, v1;
	v6 =	vadd.f32 v50, v6  }
0xaa: {  	v11 =	vperm.xlane v8, v1  }
0xab: {  	v9 =	vadd.f32 v15, v9;
	v10 =	vadd.f32 v14, v48;
	v52 =	vperm.xlane v6, v1  }
0xac: {  	v54 =	vmov s21;
	v51 =	vperm.xlane v12, v3;
	v8 =	vadd.f32 v11, v8  }
0xad: {  	v58 =	vmov s20;
	v53 =	vperm.xlane v10, v3;
	v6 =	vadd.f32 v52, v6  }
0xae: {  	v59 =	vmov s1;
	v12 =	vadd.f32 v51, v12;
	v55 =	vperm.xlane v8, v3  }
0xaf: {  	v62 =	vmov s4;
	v10 =	vadd.f32 v53, v10;
	v57 =	vperm.xlane v6, v3  }
0xb0: {  	v63 =	vmov s2;
	v56 =	vperm.xlane v12, v4;
	v8 =	vadd.f32 v55, v8  }
0xb1: {  	vm0 =	veq.s32 v54, v2;
	v15 =	vperm.xlane v10, v4;
	v6 =	vadd.f32 v57, v6  }
0xb2: {  	s30 =	sadd.s32 $0x1, s30;
	v7 =	vsel vm0, v9, v7;
	v9 =	vadd.f32 v56, v12;
	v60 =	vperm.xlane v8, v4  }
0xb3: {  	vm12 =	veq.s32 v58, v2;
	p0 =	sne.s32 s30, $0x20;
	v10 =	vadd.f32 v15, v10;
	v61 =	vperm.xlane v6, v4  }
.Ltmp3:
0xb4: {  	vm13 =	veq.s32 v59, v2;
	v7 =	vsel vm12, v9, v7;
	v8 =	vadd.f32 v60, v8;
	(pc) =	sbr.rel @p0 .LBB2_6-.Ltmp3, $4  }
0xb5: {  	vm14 =	veq.s32 v62, v2;
	v7 =	vsel vm13, v10, v7;
	v6 =	vadd.f32 v61, v6  }
0xb6: {  	vm15 =	veq.s32 v63, v2;
	v7 =	vsel vm14, v8, v7  }
0xb7: {  	s31 =	sand.u32 $0x3FFFFF80, s31;
	v6 =	vsel vm15, v6, v7  }
0xb8: {  	[tilespmem:s31+$0x11000] =	vst v6  }
0xb9: {  	s0 =	simm.s32 $0x10000  }
0xba: {  	[spmem:s11] =	stream.linear.scatter [tilespmem:s0], [sflag:$0x1], $0x2000, $0x38;
	[tilespmem:$0x1A700] =	vst v63  }
0xbb: {  	_ =	swait.ge [sflag:s18], $0x2000  }
0xbc: {  	[sflag:s18] =	ssyncset.done $0x0  }
0xbd: {  	[sflag:s18] =	ssyncadd.s32 $0xFFFFE000  }
0xbe: {  	s26 =	simm.s32 $0x12000;
	[bflag:$0x0] =	sbarrier.arrive $0xFFFF  }
0xbf: {  	[tilespmem:s26], [sflag:$0x1] =	stream.linear.gather [spmem:s9], $0x4000, $0x38;
	[tilespmem:$0x1A700] =	vst v63  }
0xc0: {  	_ =	swait.ge [sflag:s18], $0x4000  }
0xc1: {  	[sflag:s18] =	ssyncset.done $0x0  }
0xc2: {  	[sflag:s18] =	ssyncadd.s32 $0xFFFFC000  }
0xc3: {  	s29 =	simm.s32 $0x14000;
	v8 =	vld [tilespmem:$0x1A100]  }
0xc4: {  	v6 =	vld [tilespmem:s29+$0xFFFFF000]  }
0xc5: {  	v7 =	vld [tilespmem:s29+$0x1000]  }
0xc6: {  	v10 =	vld [tilespmem:s29+$0xFFFFE000]  }
0xc7: {  	v11 =	vld [tilespmem:s29+$0x0]  }
0xc8: {  	v9 =	vld [tilespmem:$0x1A180];
	_ =	sdelay $0x2  }
0xc9: {  	v6 =	vmul.f32 $1.562500000e-02, v6;
	v12 =	vmul.f32 $1.562500000e-02, v10  }
0xca: {  	v10 =	vld [tilespmem:$0x1A200];
	v7 =	vmul.f32 $1.562500000e-02, v7;
	v11 =	vmul.f32 $1.562500000e-02, v11  }
0xcb: {  	v13 =	vmul.f32 v6, v9;
	v14 =	vmul.f32 v12, v8  }
0xcc: {  	v15 =	vmul.f32 v7, v9;
	v16 =	vmul.f32 v11, v8  }
0xcd: {  	v13 =	vadd.f32 v13, v14  }
0xce: {  	v14 =	vadd.f32 v15, v16  }
0xcf: {  	v13 =	vadd.f32 v13, v10  }
0xd0: {  	v14 =	vadd.f32 v14, v10  }
0xd1: {  	v13 =	vsub.f32 $0.0e+00, v13  }
0xd2: {  	v6 =	vadd.f32 v6, v12;
	v12 =	vsub.f32 $0.0e+00, v14  }
0xd3: {  	v7 =	vadd.f32 v7, v11;
	v11 =	vmul.f32 $1.442695020e+00, v13  }
0xd4: {  	v6 =	vmul.f32 $5.000000000e-01, v6;
	v12 =	vmul.f32 $1.442695020e+00, v12  }
0xd5: {  	v7 =	vmul.f32 $5.000000000e-01, v7;
	(erf) = vpow2.f32 v11  }
0xd6: {  	(erf) = vpow2.f32 v12  }
0xd7: {  	v11 =	vadd.f32 v7, v6;
	_ =	sdelay $0x1  }
0xd8: {  	v12 =	vperm.xlane v11, v0;
	_ =	sdelay $0x1  }
0xd9: {  	v11 =	vadd.f32 v11, v12;
	_ =	sdelay $0x1  }
0xda: {  	v12 =	vperm.xlane v11, v1  }
0xdb: {  	v13 =	vpop (erf)  }
0xdc: {  	v11 =	vadd.f32 v11, v12;
	v12 =	vadd.f32 $1.000000000e+00, v13;
	v13 =	vpop (erf)  }
0xdd: {  	v13 =	vadd.f32 $1.000000000e+00, v13  }
0xde: {  	v14 =	vperm.xlane v11, v3;
	(erf) = vrcp.f32 v12  }
0xdf: {  	(erf) = vrcp.f32 v13  }
0xe0: {  	v11 =	vadd.f32 v11, v14;
	_ =	sdelay $0x1  }
0xe1: {  	v12 =	vperm.xlane v11, v4;
	_ =	sdelay $0x1  }
0xe2: {  	v11 =	vadd.f32 v11, v12  }
0xe3: {  	s31 =	simm.s32 $0x0;
	v13 =	vimm.f32 $0.0e+00  }
0xe4: {  	v12 =	vmov s31;
	v14 =	vmul.f32 $3.125000000e-02, v11  }
0xe5: {  	s30 =	simm.s32 $0x16010;
	vm0 =	veq.s32 v12, v2;
	vm1 =	veq.s32 v12, v5;
	v12 =	vadd.f32 v6, v13;
	v15 =	vpop (erf)  }
0xe6: {  	s0 =	simm.s32 $0x1;
	v11 =	vadd.f32 v7, v13;
	v6 =	vsel vm0, v14, v13;
	v7 =	vsel vm1, v14, v13;
	[tilespmem:s30+$0xFFFFFFF0] =	vst v15;
	v13 =	vpop (erf)  }
.LBB2_10:
0xe7: {  	p0 =	sne.s32 s0, $0x1F;
	[tilespmem:s30+$0x0] =	vst v13;
	s30 =	sadd.s32 $0x80, s30;
	s29 =	sadd.s32 $0x80, s29  }
0xe8: {  	s1 =	smov.u32 s0;
	s0 =	sadd.s32 $0x1, s0;
	v13 =	vld [tilespmem:s29+$0xFFFFF000]  }
0xe9: {  	v14 =	vld [tilespmem:s29+$0x1000]  }
0xea: {  	v15 =	vld [tilespmem:s29+$0xFFFFE000]  }
0xeb: {  	v16 =	vld [tilespmem:s29+$0x0];
	_ =	sdelay $0x1  }
0xec: {  	v13 =	vmul.f32 $1.562500000e-02, v13  }
0xed: {  	v14 =	vmul.f32 $1.562500000e-02, v14  }
0xee: {  	v15 =	vmul.f32 $1.562500000e-02, v15;
	v17 =	vmul.f32 v13, v9  }
0xef: {  	v16 =	vmul.f32 $1.562500000e-02, v16;
	v18 =	vmul.f32 v14, v9  }
0xf0: {  	v13 =	vadd.f32 v13, v15;
	v15 =	vmul.f32 v15, v8  }
0xf1: {  	v14 =	vadd.f32 v14, v16;
	v16 =	vmul.f32 v16, v8  }
0xf2: {  	v15 =	vadd.f32 v17, v15  }
0xf3: {  	v13 =	vmul.f32 $5.000000000e-01, v13;
	v14 =	vmul.f32 $5.000000000e-01, v14;
	v16 =	vadd.f32 v18, v16  }
0xf4: {  	v15 =	vadd.f32 v15, v10  }
0xf5: {  	v16 =	vadd.f32 v16, v10;
	v17 =	vadd.f32 v14, v13  }
0xf6: {  	v11 =	vadd.f32 v14, v11;
	v15 =	vsub.f32 $0.0e+00, v15  }
0xf7: {  	v12 =	vadd.f32 v13, v12;
	v14 =	vsub.f32 $0.0e+00, v16;
	v16 =	vperm.xlane v17, v0  }
0xf8: {  	v13 =	vmul.f32 $1.442695020e+00, v15  }
0xf9: {  	v14 =	vmul.f32 $1.442695020e+00, v14;
	v15 =	vadd.f32 v17, v16  }
0xfa: {  	(erf) = vpow2.f32 v13  }
0xfb: {  	v13 =	vperm.xlane v15, v1;
	(erf) = vpow2.f32 v14;
	_ =	sdelay $0x1  }
0xfc: {  	v13 =	vadd.f32 v15, v13;
	_ =	sdelay $0x1  }
0xfd: {  	v14 =	vperm.xlane v13, v3;
	_ =	sdelay $0x1  }
0xfe: {  	v13 =	vadd.f32 v13, v14;
	_ =	sdelay $0x1  }
0xff: {  	v14 =	vperm.xlane v13, v4;
	v15 =	vpop (erf)  }
0x100: {  	v15 =	vadd.f32 $1.000000000e+00, v15;
	v16 =	vpop (erf)  }
0x101: {  	v16 =	vadd.f32 $1.000000000e+00, v16;
	v13 =	vadd.f32 v13, v14  }
0x102: {  	(erf) = vrcp.f32 v15  }
0x103: {  	v14 =	vmov s1;
	v13 =	vmul.f32 $3.125000000e-02, v13;
	(erf) = vrcp.f32 v16  }
0x104: {  	vm0 =	veq.s32 v14, v2;
	vm1 =	veq.s32 v14, v5  }
0x105: {  	v6 =	vsel vm0, v13, v6;
	v7 =	vsel vm1, v13, v7;
	_ =	sdelay $0x2  }
.Ltmp4:
0x106: {  	(pc) =	sbr.rel @p0 .LBB2_10-.Ltmp4, $3  }
0x107: {  	_ =	sdelay $0x1  }
0x108: {  	v13 =	vpop (erf)  }
0x109: {  	[tilespmem:s30+$0xFFFFFFF0] =	vst v13;
	v13 =	vpop (erf)  }
0x10a: {  	s0 =	simm.s32 $0x0  }
0x10b: {  	v9 =	vmul.f32 $3.125000000e-02, v12;
	v10 =	vmul.f32 $3.125000000e-02, v11;
	v8 =	vmov s0  }
0x10c: {  	v12 =	vand.u32 $0xF, v8  }
0x10d: {  	[tilespmem:s30+$0x0] =	vst v13;
	s1 =	simm.s32 $0x18010;
	v13 =	vperm.xlane v9, v12;
	v12 =	vperm.xlane v10, v12  }
0x10e: {  	v11 =	vld [tilespmem:s1+$0x0];
	vm0 =	vlt.u32 v8, $0x10  }
0x10f: {  	v13 =	vsel vm0, v13, v12;
	v12 =	vld [tilespmem:s1+$0xFFFFFFF0];
	_ =	sdelay $0x3  }
0x110: {  	s0 =	simm.s32 $0x1;
	v8 =	vimm.f32 $0.0e+00;
	s1 =	simm.s32 $0x18090;
	v14 =	vmul.f32 v11, v13;
	v11 =	vimm.f32 $0.0e+00  }
.LBB2_12:
0x111: {  	v15 =	vmov s0;
	v16 =	vld [tilespmem:s1+$0x0];
	p0 =	sne.s32 s0, $0x1F;
	s0 =	sadd.s32 $0x1, s0;
	v13 =	vmul.f32 v13, v12  }
.Ltmp5:
0x112: {  	v17 =	vand.u32 $0xF, v15;
	v12 =	vld [tilespmem:s1+$0xFFFFFFF0];
	v8 =	vadd.f32 v14, v8;
	(pc) =	sbr.rel @p0 .LBB2_12-.Ltmp5, $4  }
0x113: {  	v14 =	vperm.xlane v9, v17;
	v17 =	vperm.xlane v10, v17;
	v11 =	vadd.f32 v13, v11  }
0x114: {  	vm0 =	vlt.u32 v15, $0x10  }
0x115: {  	v13 =	vsel vm0, v14, v17  }
0x116: {  	s1 =	sadd.s32 $0x80, s1;
	v14 =	vmul.f32 v16, v13  }
0x117: {  	s0 =	simm.s32 $0x0;
	s1 =	simm.s32 $0x19010;
	v12 =	vmul.f32 v13, v12  }
0x118: {  	v9 =	vmov s0;
	v17 =	vld [tilespmem:s1+$0x0]  }
0x119: {  	v10 =	vand.u32 $0xF, v9;
	v15 =	vadd.f32 v12, v11;
	v12 =	vld [tilespmem:s1+$0xFFFFFFF0]  }
0x11a: {  	v16 =	vperm.xlane v6, v10;
	v18 =	vperm.xlane v7, v10  }
0x11b: {  	vm0 =	vlt.u32 v9, $0x10  }
0x11c: {  	v13 =	vld [tilespmem:$0x1A000];
	v11 =	vimm.f32 $0.0e+00;
	v16 =	vsel vm0, v16, v18  }
0x11d: {  	s0 =	simm.s32 $0x1;
	s1 =	simm.s32 $0x19090;
	v10 =	vadd.f32 v14, v8;
	v14 =	vld [tilespmem:$0x1A010];
	v8 =	vimm.f32 $0.0e+00;
	v9 =	vmul.f32 v17, v16  }
.LBB2_14:
0x11e: {  	v17 =	vmov s0;
	v18 =	vld [tilespmem:s1+$0x0];
	p0 =	sne.s32 s0, $0x1F;
	s0 =	sadd.s32 $0x1, s0;
	v16 =	vmul.f32 v16, v12  }
.Ltmp6:
0x11f: {  	v19 =	vand.u32 $0xF, v17;
	v12 =	vld [tilespmem:s1+$0xFFFFFFF0];
	v8 =	vadd.f32 v9, v8;
	(pc) =	sbr.rel @p0 .LBB2_14-.Ltmp6, $4  }
0x120: {  	v9 =	vperm.xlane v6, v19;
	v19 =	vperm.xlane v7, v19;
	v11 =	vadd.f32 v16, v11  }
0x121: {  	vm0 =	vlt.u32 v17, $0x10  }
0x122: {  	v16 =	vsel vm0, v9, v19  }
0x123: {  	s1 =	sadd.s32 $0x80, s1;
	v9 =	vmul.f32 v18, v16  }
0x124: {  	v6 =	vadd.f32 v13, v15;
	_ =	sdelay $0x1  }
0x125: {  	v6 =	vsub.f32 $0.0e+00, v6;
	_ =	sdelay $0x1  }
0x126: {  	v6 =	vmul.f32 $1.442695020e+00, v6;
	_ =	sdelay $0x1  }
0x127: {  	(erf) = vpow2.f32 v6;
	_ =	sdelay $0x6  }
0x128: {  	v6 =	vadd.f32 v14, v10;
	_ =	sdelay $0x1  }
0x129: {  	v6 =	vsub.f32 $0.0e+00, v6;
	v7 =	vpop (erf)  }
0x12a: {  	v7 =	vadd.f32 $1.000000000e+00, v7  }
0x12b: {  	v6 =	vmul.f32 $1.442695020e+00, v6  }
0x12c: {  	(erf) = vrcp.f32 v7  }
0x12d: {  	(erf) = vpow2.f32 v6;
	_ =	sdelay $0x1  }
0x12e: {  	v6 =	vld [tilespmem:$0x1A080]  }
0x12f: {  	v7 =	vmul.f32 v16, v12;
	_ =	sdelay $0x1  }
0x130: {  	v7 =	vadd.f32 v7, v11;
	_ =	sdelay $0x1  }
0x131: {  	v7 =	vadd.f32 v6, v7  }
0x132: {  	v6 =	vpop (erf)  }
0x133: {  	v7 =	vsub.f32 $0.0e+00, v7;
	v10 =	vpop (erf)  }
0x134: {  	v10 =	vadd.f32 $1.000000000e+00, v10  }
0x135: {  	v7 =	vmul.f32 $1.442695020e+00, v7  }
0x136: {  	(erf) = vrcp.f32 v10  }
0x137: {  	(erf) = vpow2.f32 v7;
	_ =	sdelay $0x1  }
0x138: {  	v7 =	vld [tilespmem:$0x1A090];
	_ =	sdelay $0x2  }
0x139: {  	v8 =	vadd.f32 v9, v8;
	_ =	sdelay $0x1  }
0x13a: {  	v8 =	vadd.f32 v7, v8  }
0x13b: {  	v7 =	vpop (erf)  }
0x13c: {  	v8 =	vsub.f32 $0.0e+00, v8;
	v9 =	vpop (erf)  }
0x13d: {  	v9 =	vadd.f32 $1.000000000e+00, v9  }
0x13e: {  	v8 =	vmul.f32 $1.442695020e+00, v8  }
0x13f: {  	(erf) = vrcp.f32 v9  }
0x140: {  	(erf) = vpow2.f32 v8;
	_ =	sdelay $0x7  }
0x141: {  	v8 =	vpop (erf)  }
0x142: {  	v9 =	vpop (erf)  }
0x143: {  	v9 =	vadd.f32 $1.000000000e+00, v9;
	_ =	sdelay $0x1  }
0x144: {  	(erf) = vrcp.f32 v9;
	_ =	sdelay $0x6  }
0x145: {  	s29 =	simm.s32 $0x0  }
0x146: {  	v10 =	vmov s29  }
0x147: {  	s0 =	simm.s32 $0x16010;
	v11 =	vand.u32 $0xF, v10;
	v9 =	vpop (erf)  }
0x148: {  	v63 =	vld [tilespmem:s0+$0xFFFFFFF0];
	v62 =	vperm.xlane v8, v11;
	v11 =	vperm.xlane v9, v11  }
0x149: {  	vm0 =	vlt.u32 v10, $0x10  }
0x14a: {  	v10 =	vsel vm0, v62, v11  }
0x14b: {  	v11 =	vadd.f32 v10, v6;
	_ =	sdelay $0x1  }
0x14c: {  	v11 =	vadd.f32 v11, v63;
	_ =	sdelay $0x1  }
0x14d: {  	v11 =	vmul.f32 $3.333333430e-01, v11  }
0x14e: {  	s1 =	simm.s32 $0x17010  }
0x14f: {  	[tilespmem:s1+$0xFFFFFFF0] =	vst v11  }
0x150: {  	v11 =	vld [tilespmem:s0+$0x0];
	_ =	sdelay $0x2  }
0x151: {  	v10 =	vadd.f32 v10, v7;
	_ =	sdelay $0x1  }
0x152: {  	v10 =	vadd.f32 v11, v10;
	_ =	sdelay $0x1  }
0x153: {  	s2 =	simm.s32 $0x1;
	v11 =	vmul.f32 $3.333333430e-01, v10  }
0x154: {  	v10 =	vmov s2;
	s2 =	simm.s32 $0x2  }
.LBB2_16:
0x155: {  	p0 =	sne.s32 s2, $0x1F;
	v12 =	vand.u32 $0xF, v10;
	[tilespmem:s1+$0x0] =	vst v11;
	s0 =	sadd.s32 $0x80, s0  }
0x156: {  	v11 =	vperm.xlane v8, v12;
	v12 =	vperm.xlane v9, v12;
	v13 =	vld [tilespmem:s0+$0xFFFFFFF0]  }
0x157: {  	vm0 =	vlt.u32 v10, $0x10  }
0x158: {  	v10 =	vsel vm0, v11, v12  }
0x159: {  	v11 =	vadd.f32 v10, v6;
	_ =	sdelay $0x1  }
0x15a: {  	v11 =	vadd.f32 v11, v13;
	_ =	sdelay $0x1  }
0x15b: {  	v11 =	vmul.f32 $3.333333430e-01, v11  }
0x15c: {  	s1 =	sadd.s32 $0x80, s1  }
0x15d: {  	[tilespmem:s1+$0xFFFFFFF0] =	vst v11  }
0x15e: {  	v11 =	vld [tilespmem:s0+$0x0];
	_ =	sdelay $0x2  }
0x15f: {  	v10 =	vadd.f32 v10, v7  }
.Ltmp7:
0x160: {  	(pc) =	sbr.rel @p0 .LBB2_16-.Ltmp7, $3  }
0x161: {  	v10 =	vadd.f32 v11, v10;
	_ =	sdelay $0x1  }
0x162: {  	v11 =	vmul.f32 $3.333333430e-01, v10  }
0x163: {  	v10 =	vmov s2;
	s2 =	sadd.s32 $0x1, s2  }
0x164: {  	v12 =	vand.u32 $0xF, v10;
	[tilespmem:s1+$0x0] =	vst v11;
	s0 =	sadd.s32 $0x80, s0  }
0x165: {  	v8 =	vperm.xlane v8, v12;
	v9 =	vperm.xlane v9, v12;
	v11 =	vld [tilespmem:s0+$0xFFFFFFF0]  }
0x166: {  	vm0 =	vlt.u32 v10, $0x10  }
0x167: {  	v8 =	vsel vm0, v8, v9  }
0x168: {  	v6 =	vadd.f32 v8, v6;
	_ =	sdelay $0x1  }
0x169: {  	v6 =	vadd.f32 v6, v11;
	_ =	sdelay $0x1  }
0x16a: {  	v6 =	vmul.f32 $3.333333430e-01, v6  }
0x16b: {  	s31 =	sadd.s32 $0x80, s1  }
0x16c: {  	[tilespmem:s31+$0xFFFFFFF0] =	vst v6  }
0x16d: {  	v6 =	vld [tilespmem:s0+$0x0];
	_ =	sdelay $0x2  }
0x16e: {  	v7 =	vadd.f32 v8, v7;
	_ =	sdelay $0x1  }
0x16f: {  	v6 =	vadd.f32 v6, v7;
	_ =	sdelay $0x1  }
0x170: {  	v6 =	vmul.f32 $3.333333430e-01, v6;
	_ =	sdelay $0x1  }
0x171: {  	[tilespmem:s31+$0x0] =	vst v6  }
.LBB2_18:
0x172: {  	s0 =	sshll.u32 s29, $0x7;
	s1 =	sshll.u32 s29, $0xA  }
0x173: {  	s4 =	simm.s32 $0x0;
	v6 =	vld [tilespmem:s0+$0x17000];
	s1 =	sand.u32 $0x6000, s1;
	s2 =	sand.u32 $0x380, s0  }
0x174: {  	v7 =	vld [tilespmem:s0+$0x17010];
	s5 =	sand.u32 $0x40, s4;
	s30 =	sor.u32 s1, s2  }
0x175: {  	s20 =	sand.u32 $0x1C00, s4;
	s0 =	sor.u32 s5, s30  }
0x176: {  	s0 =	sor.u32 s20, s0  }
0x177: {  	v8 =	vmov s12;
	v9 =	vld [tilespmem:s0+$0x0]  }
0x178: {  	v10 =	vand.u32 $0xF, v8;
	v11 =	vld [tilespmem:s0+$0x8000]  }
0x179: {  	v12 =	vperm.xlane v6, v10;
	v10 =	vperm.xlane v7, v10  }
0x17a: {  	vm0 =	vlt.u32 v8, $0x10  }
0x17b: {  	v8 =	vsel vm0, v12, v10  }
0x17c: {  	v9 =	vmul.f32 v8, v9  }
0x17d: {  	v10 =	vmul.f32 v11, v8  }
0x17e: {  	[tilespmem:s0+$0x0] =	vst v9  }
0x17f: {  	s1 =	sor.u32 $0x10, s0;
	[tilespmem:s0+$0x8000] =	vst v10  }
0x180: {  	v9 =	vld [tilespmem:s1+$0x0];
	_ =	sdelay $0x4  }
0x181: {  	v9 =	vmul.f32 v9, v8;
	_ =	sdelay $0x1  }
0x182: {  	s21 =	sor.u32 $0x8010, s0;
	[tilespmem:s1+$0x0] =	vst v9  }
0x183: {  	v9 =	vld [tilespmem:s21+$0x0];
	_ =	sdelay $0x4  }
0x184: {  	v9 =	vmul.f32 v9, v8;
	_ =	sdelay $0x1  }
0x185: {  	s22 =	sor.u32 $0x20, s0;
	[tilespmem:s21+$0x0] =	vst v9  }
0x186: {  	v9 =	vld [tilespmem:s22+$0x0];
	_ =	sdelay $0x4  }
0x187: {  	v9 =	vmul.f32 v9, v8;
	_ =	sdelay $0x1  }
0x188: {  	s23 =	sor.u32 $0x8020, s0;
	[tilespmem:s22+$0x0] =	vst v9  }
0x189: {  	v9 =	vld [tilespmem:s23+$0x0];
	_ =	sdelay $0x4  }
0x18a: {  	v9 =	vmul.f32 v9, v8;
	_ =	sdelay $0x1  }
0x18b: {  	s24 =	sor.u32 $0x30, s0;
	[tilespmem:s23+$0x0] =	vst v9  }
0x18c: {  	v9 =	vld [tilespmem:s24+$0x0];
	_ =	sdelay $0x4  }
0x18d: {  	v9 =	vmul.f32 v9, v8;
	_ =	sdelay $0x1  }
0x18e: {  	s21 =	sor.u32 $0x8030, s0;
	[tilespmem:s24+$0x0] =	vst v9  }
0x18f: {  	v9 =	vld [tilespmem:s21+$0x0];
	_ =	sdelay $0x2  }
0x190: {  	s25 =	simm.s32 $0x200  }
0x191: {  	s26 =	simm.s32 $0x40;
	s31 =	sand.u32 $0x1C00, s25;
	s4 =	simm.s32 $0x400  }
0x192: {  	s2 =	sand.u32 $0x40, s26;
	s20 =	simm.s32 $0x80;
	s0 =	sadd.s32 $0x1, s12;
	v8 =	vmul.f32 v9, v8  }
.LBB2_19:
0x193: {  	s5 =	sand.u32 $0x1C00, s4  }
0x194: {  	s22 =	sor.u32 s2, s30;
	s2 =	smov.u32 s20;
	s1 =	sadd.s32 $0x40, s20  }
0x195: {  	p0 =	sne.s32 s20, $0x3C0;
	s20 =	sor.u32 s31, s22;
	[tilespmem:s21+$0x0] =	vst v8;
	s31 =	smov.u32 s5  }
0x196: {  	v8 =	vmov s0;
	v9 =	vld [tilespmem:s20+$0x0]  }
0x197: {  	v10 =	vand.u32 $0xF, v8;
	v11 =	vld [tilespmem:s20+$0x8000]  }
0x198: {  	v12 =	vperm.xlane v6, v10;
	v10 =	vperm.xlane v7, v10  }
0x199: {  	vm0 =	vlt.u32 v8, $0x10  }
0x19a: {  	v8 =	vsel vm0, v12, v10  }
0x19b: {  	v9 =	vmul.f32 v8, v9  }
0x19c: {  	v10 =	vmul.f32 v11, v8  }
0x19d: {  	s5 =	sor.u32 $0x10, s20;
	[tilespmem:s20+$0x0] =	vst v9  }
0x19e: {  	[tilespmem:s20+$0x8000] =	vst v10  }
0x19f: {  	v9 =	vld [tilespmem:s5+$0x0];
	_ =	sdelay $0x4  }
0x1a0: {  	v9 =	vmul.f32 v9, v8  }
0x1a1: {  	s21 =	sor.u32 $0x8010, s20  }
0x1a2: {  	[tilespmem:s5+$0x0] =	vst v9  }
0x1a3: {  	v9 =	vld [tilespmem:s21+$0x0];
	_ =	sdelay $0x4  }
0x1a4: {  	v9 =	vmul.f32 v9, v8  }
0x1a5: {  	s5 =	sor.u32 $0x20, s20  }
0x1a6: {  	[tilespmem:s21+$0x0] =	vst v9  }
0x1a7: {  	v9 =	vld [tilespmem:s5+$0x0];
	_ =	sdelay $0x4  }
0x1a8: {  	v9 =	vmul.f32 v9, v8  }
0x1a9: {  	s21 =	sor.u32 $0x8020, s20  }
0x1aa: {  	[tilespmem:s5+$0x0] =	vst v9  }
0x1ab: {  	v9 =	vld [tilespmem:s21+$0x0];
	_ =	sdelay $0x4  }
0x1ac: {  	v9 =	vmul.f32 v9, v8  }
0x1ad: {  	s5 =	sor.u32 $0x30, s20  }
0x1ae: {  	[tilespmem:s21+$0x0] =	vst v9  }
0x1af: {  	v9 =	vld [tilespmem:s5+$0x0];
	_ =	sdelay $0x4  }
0x1b0: {  	v9 =	vmul.f32 v9, v8  }
0x1b1: {  	s21 =	sor.u32 $0x8030, s20  }
0x1b2: {  	[tilespmem:s5+$0x0] =	vst v9  }
0x1b3: {  	v9 =	vld [tilespmem:s21+$0x0]  }
.Ltmp8:
0x1b4: {  	(pc) =	sbr.rel @p0 .LBB2_19-.Ltmp8, $3  }
0x1b5: {  	_ =	sdelay $0x1  }
0x1b6: {  	s4 =	sadd.s32 $0x200, s4  }
0x1b7: {  	s2 =	sand.u32 $0x40, s2;
	s0 =	sadd.s32 $0x1, s0;
	s20 =	smov.u32 s1;
	v8 =	vmul.f32 v9, v8  }
0x1b8: {  	s1 =	sor.u32 s2, s30  }
0x1b9: {  	s1 =	sor.u32 s31, s1;
	[tilespmem:s21+$0x0] =	vst v8  }
0x1ba: {  	v62 =	vmov s0;
	v9 =	vld [tilespmem:s1+$0x0]  }
0x1bb: {  	v10 =	vand.u32 $0xF, v62;
	v11 =	vld [tilespmem:s1+$0x8000]  }
0x1bc: {  	v6 =	vperm.xlane v6, v10;
	v7 =	vperm.xlane v7, v10  }
0x1bd: {  	vm0 =	vlt.u32 v62, $0x10  }
0x1be: {  	v6 =	vsel vm0, v6, v7  }
0x1bf: {  	v7 =	vmul.f32 v6, v9  }
0x1c0: {  	v63 =	vmul.f32 v11, v6  }
0x1c1: {  	[tilespmem:s1+$0x0] =	vst v7  }
0x1c2: {  	s24 =	sor.u32 $0x10, s1;
	[tilespmem:s1+$0x8000] =	vst v63  }
0x1c3: {  	v7 =	vld [tilespmem:s24+$0x0];
	_ =	sdelay $0x4  }
0x1c4: {  	v7 =	vmul.f32 v7, v6;
	_ =	sdelay $0x1  }
0x1c5: {  	s25 =	sor.u32 $0x8010, s1;
	[tilespmem:s24+$0x0] =	vst v7  }
0x1c6: {  	v7 =	vld [tilespmem:s25+$0x0];
	_ =	sdelay $0x4  }
0x1c7: {  	v7 =	vmul.f32 v7, v6;
	_ =	sdelay $0x1  }
0x1c8: {  	s26 =	sor.u32 $0x20, s1;
	[tilespmem:s25+$0x0] =	vst v7  }
0x1c9: {  	v7 =	vld [tilespmem:s26+$0x0];
	_ =	sdelay $0x4  }
0x1ca: {  	v7 =	vmul.f32 v7, v6;
	_ =	sdelay $0x1  }
0x1cb: {  	s30 =	sor.u32 $0x8020, s1;
	[tilespmem:s26+$0x0] =	vst v7  }
0x1cc: {  	v7 =	vld [tilespmem:s30+$0x0];
	_ =	sdelay $0x4  }
0x1cd: {  	v7 =	vmul.f32 v7, v6;
	_ =	sdelay $0x1  }
0x1ce: {  	s31 =	sor.u32 $0x30, s1;
	[tilespmem:s30+$0x0] =	vst v7  }
0x1cf: {  	v7 =	vld [tilespmem:s31+$0x0];
	_ =	sdelay $0x4  }
0x1d0: {  	v7 =	vmul.f32 v7, v6;
	_ =	sdelay $0x1  }
0x1d1: {  	s1 =	sor.u32 $0x8030, s1;
	[tilespmem:s31+$0x0] =	vst v7  }
0x1d2: {  	v7 =	vld [tilespmem:s1+$0x0]  }
0x1d3: {  	s29 =	sadd.s32 $0x1, s29  }
0x1d4: {  	p0 =	sne.s32 s29, $0x20  }
.Ltmp9:
0x1d5: {  	_ = 	snop;
	(pc) =	sbr.rel @p0 .LBB2_18-.Ltmp9, $3  }
0x1d6: {  	_ = 	snop  }
0x1d7: {  	v6 =	vmul.f32 v7, v6;
	_ =	sdelay $0x1  }
0x1d8: {  	[tilespmem:s1+$0x0] =	vst v6  }
0x1d9: {  	[hbm4b:s13+s16] =	stream.strided.scatter [tilespmem:s3], [sflag:$0x1], $0x8000, s17, s16, $0x38;
	[tilespmem:$0x1A700] =	vst v63  }
0x1da: {  	s28 =	sadd.s32 $0x1, s28;
	_ =	swait.ge [sflag:s18], $0x8000  }
0x1db: {  	p0 =	sne.s32 s28, s15;
	[sflag:s18] =	ssyncset.done $0x0  }
.Ltmp10:
0x1dc: {  	[sflag:s18] =	ssyncadd.s32 $0xFFFF8000;
	(pc) =	sbr.rel @p0 .LBB2_1-.Ltmp10, $4  }
0x1dd: {  	[hbm4b:s14+s16] =	stream.strided.scatter [tilespmem:s19], [sflag:$0x1], $0x8000, s17, s16, $0x38;
	[tilespmem:$0x1A700] =	vst v63  }
0x1de: {  	_ =	swait.ge [sflag:s18], $0x8000  }
0x1df: {  	[sflag:s18] =	ssyncset.done $0x0  }
0x1e0: {  	[sflag:s18] =	ssyncadd.s32 $0xFFFF8000  }
0x1e1: {  	_ =	sfence.sel $0x180000  }
0x1e2: {  	[bflag:$0x0] =	sbarrier.arrive $0xFFFF  }
0x1e3: {  	_ =	strace $0x90000047  }
0x1e4: {  	s0 =	stileid.u32;
	[bflag:$0x2] =	sbarrier.arrive $0xFFFF  }
0x1e5: {  	p0 =	sne.s32 s0, $0x0;
	s0 =	rddreg [dreg:$0x8]  }
0x1e6: {  	s0 =	sadd.s32 @!p0 $0x100000, s0  }
0x1e7: {  	[sflag:s0] =	ssyncadd.tile.s32 @!p0 $0x1;
	_ =	shalt  }
.Lfunc_end2:
_tile_overlayer_lowered:
.L_overlay_start_2:
0x1e8: {  	(tag) =	ssettag $0x2  }
0x1e9: {  	s0 =	rddreg [dreg:$0x0];
	s2 =	stileid.u32  }
0x1ea: {  	s1 =	rddreg [dreg:$0x1];
	p0 =	sne.s32 s2, $0x0  }
0x1eb: {  	s3 =	rddreg [dreg:$0x2];
	[bflag:$0x3] =	sbarrier.arrive $0xFFFF;
	s2 =	simm.s32 @!p0 $0x1C01  }
0x1ec: {  	[timem:s3], [sflag:s2] =	dma.local @!p0 [hbm:s0], s1  }
0x1ed: {  	s0 =	simm.s32 @!p0 $0x1  }
0x1ee: {  	_ =	swait.ge @!p0 [sflag:s0], s1  }
0x1ef: {  	s1 =	ssub.s32 @!p0 $0x0, s1;
	[sflag:s0] =	ssyncset.done @!p0 $0x0  }
0x1f0: {  	[sflag:s0] =	ssyncadd.s32 @!p0 s1  }
0x1f1: {  	[bflag:$0x3] =	sbarrier.arrive $0xFFFF  }
0x1f2: {  	_ =	shalt  }

</sc_bundles>
